<compile_context>
chip_gen: v7x
topology: tpu7x:2x2x1
jax: 0.10.2.dev20260603
libtpu: 0.0.44.dev20260713+nightly
codegen_flags: <defaults>
</compile_context>

<pallas_src>
import functools

import jax
import jax.numpy as jnp
from jax import lax
from jax.experimental import pallas as pl
from jax.experimental.pallas import tpu as pltpu
from jax.experimental.pallas import tpu_sc as plsc

B = 16384
D = 64
H1 = 128
H2 = 64
HALF = 50176
PCOL = 1024

NC = 2
NS = 16
NW = NC * NS
B_PER_W = B // NW
CB = B_PER_W // 2


def _pack_body(ulo, uhi, ilo, ihi, eye, uout, iout):
    dn = (((0,), (0,)), ((), ()))
    f32 = jnp.float32
    tul = lax.dot_general(ulo[:], eye[:], dn, preferred_element_type=f32)
    tuh = lax.dot_general(uhi[:], eye[:], dn, preferred_element_type=f32)
    til = lax.dot_general(ilo[:], eye[:], dn, preferred_element_type=f32)
    tih = lax.dot_general(ihi[:], eye[:], dn, preferred_element_type=f32)
    uout[:] = jnp.concatenate([tul, tuh], axis=1)
    iout[:] = jnp.concatenate([til, tih], axis=1)


def _tc_pack(utT, itT):
    nblk = HALF // PCOL
    lo_spec = pl.BlockSpec((D, PCOL), lambda i: (0, i))
    hi_spec = pl.BlockSpec((D, PCOL), lambda i: (0, i + nblk))
    eye_spec = pl.BlockSpec((D, D), lambda i: (0, 0))
    out_spec = pl.BlockSpec((PCOL, 2 * D), lambda i: (i, 0))
    out_shape = jax.ShapeDtypeStruct((HALF, 2 * D), jnp.float32)
    return pl.pallas_call(
        _pack_body,
        grid=(nblk,),
        in_specs=[lo_spec, hi_spec, lo_spec, hi_spec, eye_spec],
        out_specs=[out_spec, out_spec],
        out_shape=[out_shape, out_shape],
    )(utT, utT, itT, itT, jnp.eye(D, dtype=jnp.float32))


def _sc_gather(uid, iid, ut2, it2):
    mesh = plsc.VectorSubcoreMesh(core_axis_name="c", subcore_axis_name="s")

    @functools.partial(
        pl.kernel,
        mesh=mesh,
        compiler_params=pltpu.CompilerParams(use_tc_tiling_on_sc=True),
        out_type=[
            jax.ShapeDtypeStruct((B, 2 * D), jnp.float32),
            jax.ShapeDtypeStruct((B, 2 * D), jnp.float32),
        ],
        scratch_types=[
            pltpu.VMEM((CB,), jnp.int32),
            pltpu.VMEM((CB,), jnp.int32),
            pltpu.VMEM((CB, 2 * D), jnp.float32),
            pltpu.VMEM((CB, 2 * D), jnp.float32),
            pltpu.SemaphoreType.DMA,
            pltpu.SemaphoreType.DMA,
            pltpu.SemaphoreType.DMA,
            pltpu.SemaphoreType.DMA,
        ],
    )
    def k(uid_hbm, iid_hbm, ut_hbm, it_hbm, uout_hbm, iout_hbm,
          uidx_v, iidx_v, urows_v, irows_v, gu, gi, wu, wi):
        wid = lax.axis_index("s") * NC + lax.axis_index("c")

        def fold(iv):
            def body(i, _):
                x = iv[pl.ds(i * 16, 16)]
                iv[pl.ds(i * 16, 16)] = jnp.where(x < HALF, x, x - HALF)
                return 0
            lax.fori_loop(0, CB // 16, body, 0)

        for c in range(2):
            base = wid * B_PER_W + c * CB
            pltpu.sync_copy(uid_hbm.at[pl.ds(base, CB)], uidx_v)
            fold(uidx_v)
            cu = pltpu.async_copy(ut_hbm.at[uidx_v], urows_v, gu)
            pltpu.sync_copy(iid_hbm.at[pl.ds(base, CB)], iidx_v)
            fold(iidx_v)
            ci = pltpu.async_copy(it_hbm.at[iidx_v], irows_v, gi)
            cu.wait()
            su = pltpu.async_copy(urows_v, uout_hbm.at[pl.ds(base, CB)], wu)
            ci.wait()
            si = pltpu.async_copy(irows_v, iout_hbm.at[pl.ds(base, CB)], wi)
            su.wait()
            si.wait()

    return k(uid, iid, ut2, it2)


def _mlp_body(urows, irows, uidc, iidc, uw1, ub1, uw2, ub2,
              iw1, ib1, iw2, ib2, out):
    ur = jnp.where(uidc[:] < HALF, urows[:, :D], urows[:, D:])
    ir = jnp.where(iidc[:] < HALF, irows[:, :D], irows[:, D:])
    u = jnp.dot(ur, uw1[:], preferred_element_type=jnp.float32) + ub1[:]
    u = jnp.maximum(u, 0.0)
    u = jnp.dot(u, uw2[:], preferred_element_type=jnp.float32) + ub2[:]
    u = jnp.maximum(u, 0.0)
    v = jnp.dot(ir, iw1[:], preferred_element_type=jnp.float32) + ib1[:]
    v = jnp.maximum(v, 0.0)
    v = jnp.dot(v, iw2[:], preferred_element_type=jnp.float32) + ib2[:]
    v = jnp.maximum(v, 0.0)
    out[:] = jnp.maximum(jnp.sum(u * v, axis=1), 0.0).reshape(out.shape)


BLK = 1024


def _tc_mlp(urows, irows, uid, iid, uW1, ub1, uW2, ub2, iW1, ib1, iW2, ib2):
    nblk = B // BLK
    row_spec = pl.BlockSpec((BLK, 2 * D), lambda i: (i, 0))
    idc_spec = pl.BlockSpec((BLK, 1), lambda i: (i, 0))
    w1_spec = pl.BlockSpec((D, H1), lambda i: (0, 0))
    b1_spec = pl.BlockSpec((1, H1), lambda i: (0, 0))
    w2_spec = pl.BlockSpec((H1, H2), lambda i: (0, 0))
    b2_spec = pl.BlockSpec((1, H2), lambda i: (0, 0))
    out = pl.pallas_call(
        _mlp_body,
        grid=(nblk,),
        in_specs=[row_spec, row_spec, idc_spec, idc_spec,
                  w1_spec, b1_spec, w2_spec, b2_spec,
                  w1_spec, b1_spec, w2_spec, b2_spec],
        out_specs=pl.BlockSpec((BLK // 128, 128), lambda i: (i, 0)),
        out_shape=jax.ShapeDtypeStruct((B // 128, 128), jnp.float32),
    )(urows, irows, uid.reshape(B, 1), iid.reshape(B, 1),
      uW1, ub1.reshape(1, H1), uW2, ub2.reshape(1, H2),
      iW1, ib1.reshape(1, H1), iW2, ib2.reshape(1, H2))
    return out.reshape(-1)


def kernel(uid, iid, user_table, uW1, ub1, uW2, ub2, item_table, iW1, ib1, iW2, ib2):
    uid = uid.astype(jnp.int32)
    iid = iid.astype(jnp.int32)
    ut2, it2 = _tc_pack(user_table.T, item_table.T)
    urows, irows = _sc_gather(uid, iid, ut2, it2)
    return _tc_mlp(urows, irows, uid, iid,
                   uW1, ub1, uW2, ub2, iW1, ib1, iW2, ib2)

# --- scband reference (transcript-rebuilt; emitter-appended) ---
"""Pipeline reference for scband-colab-filtering-59167469470423 (READ-ONLY COPY).

The authoritative reference and input builder live on the scoring server;
editing this copy changes nothing except your own understanding.
"""

import jax, jax.numpy as jnp
import numpy as np

NUSERS = 100000
NITEMS = 100000
EMBED = 64
H1 = 128
H2 = 64
BATCH = 16384


def setup_inputs(seed: int = 0) -> dict:
    key = jax.random.key(seed)
    ks = jax.random.split(key, 16)
    uid = jax.random.randint(ks[0], (BATCH,), 0, NUSERS, dtype=jnp.int64) if jax.config.jax_enable_x64 else jax.random.randint(ks[0], (BATCH,), 0, NUSERS, dtype=jnp.int32)
    iid = jax.random.randint(ks[1], (BATCH,), 0, NITEMS, dtype=uid.dtype)
    # nn.Embedding uses nelems + 1 rows
    user_table = jax.random.normal(ks[2], (NUSERS + 1, EMBED), dtype=jnp.float32)
    item_table = jax.random.normal(ks[3], (NITEMS + 1, EMBED), dtype=jnp.float32)
    s1 = 1.0 / np.sqrt(EMBED)
    s2 = 1.0 / np.sqrt(H1)
    uW1 = jax.random.uniform(ks[4], (EMBED, H1), jnp.float32, -s1, s1)
    ub1 = jax.random.uniform(ks[5], (H1,), jnp.float32, -s1, s1)
    uW2 = jax.random.uniform(ks[6], (H1, H2), jnp.float32, -s2, s2)
    ub2 = jax.random.uniform(ks[7], (H2,), jnp.float32, -s2, s2)
    iW1 = jax.random.uniform(ks[8], (EMBED, H1), jnp.float32, -s1, s1)
    ib1 = jax.random.uniform(ks[9], (H1,), jnp.float32, -s1, s1)
    iW2 = jax.random.uniform(ks[10], (H1, H2), jnp.float32, -s2, s2)
    ib2 = jax.random.uniform(ks[11], (H2,), jnp.float32, -s2, s2)
    return {
        "uid": uid, "iid": iid,
        "user_table": user_table, "uW1": uW1, "ub1": ub1, "uW2": uW2, "ub2": ub2,
        "item_table": item_table, "iW1": iW1, "ib1": ib1, "iW2": iW2, "ib2": ib2,
    }


def _tower(idx, table, W1, b1, W2, b2):
    e = jnp.take(table, idx, axis=0)
    h = jax.nn.relu(e @ W1 + b1)
    h = jax.nn.relu(h @ W2 + b2)
    return h


def reference(uid, iid, user_table, uW1, ub1, uW2, ub2, item_table, iW1, ib1, iW2, ib2):
    u = _tower(uid, user_table, uW1, ub1, uW2, ub2)
    v = _tower(iid, item_table, iW1, ib1, iW2, ib2)
    dotprod = jnp.sum(u * v, axis=-1)
    return jax.nn.relu(dotprod)

if __name__ == "__main__":
    import jax
    _d = setup_inputs()
    print(jax.jit(kernel)(*tuple(_d.values())))

</pallas_src>

<mosaic_0001>
#map = affine_map<(d0, d1) -> (0)>
#map1 = affine_map<(d0, d1) -> (0, 0)>
module attributes {stable_mosaic.version = 14 : i64} {
  func.func @k(%arg0: i32, %arg1: i32, %arg2: memref<16384xi32, #tpu.memory_space<hbm>>, %arg3: memref<16384xi32, #tpu.memory_space<hbm>>, %arg4: memref<50176x128xf32, #tpu.memory_space<hbm>>, %arg5: memref<50176x128xf32, #tpu.memory_space<hbm>>, %arg6: memref<16384x128xf32, #tpu.memory_space<hbm>>, %arg7: memref<16384x128xf32, #tpu.memory_space<hbm>>, %arg8: memref<256xi32, #tpu.memory_space<vmem>>, %arg9: memref<256xi32, #tpu.memory_space<vmem>>, %arg10: memref<256x128xf32, #tpu.memory_space<vmem>>, %arg11: memref<256x128xf32, #tpu.memory_space<vmem>>, %arg12: memref<!tpu.dma_semaphore, #tpu.memory_space<semaphore_mem>>, %arg13: memref<!tpu.dma_semaphore, #tpu.memory_space<semaphore_mem>>, %arg14: memref<!tpu.dma_semaphore, #tpu.memory_space<semaphore_mem>>, %arg15: memref<!tpu.dma_semaphore, #tpu.memory_space<semaphore_mem>>) attributes {dimension_semantics = [#tpu.dimension_semantics<core_parallel>, #tpu.dimension_semantics<subcore_parallel>], iteration_bounds = array<i64: 2, 16>, scalar_prefetch = 0 : i64, scratch_operands = 8 : i64, tpu.core_type = #tpu.core_type<sc_vector_subcore>, window_params = [{transform_indices = #map}, {transform_indices = #map}, {transform_indices = #map1}, {transform_indices = #map1}, {transform_indices = #map1}, {transform_indices = #map1}]} {
    %mul3A = arith.constant 2 : i32
    %mul3A_0 = arith.muli %arg1, %mul3A : i32
    %add3A = arith.addi %mul3A_0, %arg0 : i32
    %mul3A_1 = arith.constant 512 : i32
    %mul3A_2 = arith.muli %add3A, %mul3A_1 : i32
    %add3A_3 = arith.constant 0 : i32
    %add3A_4 = arith.addi %mul3A_2, %add3A_3 : i32
    "tpu.region"() ({
      %run_scoped3A = tpu.sem_alloc : memref<!tpu.dma_semaphore, #tpu.memory_space<semaphore_mem>>
      %dma_start3A_90 = tpu.memref_slice %arg2[%add3A_4] : memref<16384xi32, #tpu.memory_space<hbm>> -> memref<256xi32, #tpu.memory_space<hbm>>
      %dma_start3A_91 = tpu.memref_slice %arg2[%add3A_4] : memref<16384xi32, #tpu.memory_space<hbm>> -> memref<256xi32, #tpu.memory_space<hbm>>
      tpu.enqueue_dma source(%dma_start3A_91 : memref<256xi32, #tpu.memory_space<hbm>>) target(%arg8 : memref<256xi32, #tpu.memory_space<vmem>>) target_semaphore(%run_scoped3A : memref<!tpu.dma_semaphore, #tpu.memory_space<semaphore_mem>>)
      %dma_wait3A_92 = tpu.memref_slice %arg2[%add3A_4] : memref<16384xi32, #tpu.memory_space<hbm>> -> memref<256xi32, #tpu.memory_space<hbm>>
      %dma_wait3A_93 = tpu.memref_slice %arg2[%add3A_4] : memref<16384xi32, #tpu.memory_space<hbm>> -> memref<256xi32, #tpu.memory_space<hbm>>
      tpu.wait_dma2 semaphore(%run_scoped3A : memref<!tpu.dma_semaphore, #tpu.memory_space<semaphore_mem>>) src(%dma_wait3A_93 : memref<256xi32, #tpu.memory_space<hbm>>) dst(%arg8 : memref<256xi32, #tpu.memory_space<vmem>>)
      tpu.yield
    }) : () -> ()
    %scan3A = arith.constant 0 : i32
    %scan3A_5 = arith.constant 0 : i32
    %scan3A_6 = arith.constant 16 : i32
    %scan3A_7 = arith.addi %scan3A_5, %scan3A_6 : i32
    %scan3A_8 = arith.constant 1 : i32
    %scan3A_9 = scf.for %scan3A_90 = %scan3A_5 to %scan3A_7 step %scan3A_8 iter_args(%scan3A_91 = %scan3A) -> (i32)  : i32 {
      %mul3A_92 = arith.constant 16 : i32
      %mul3A_93 = arith.muli %scan3A_90, %mul3A_92 : i32
      %get3A = arith.index_cast %mul3A_93 : i32 to index
      %get3A_94 = tpu.vector_load %arg8[%get3A] {strides = array<i32>} : memref<256xi32, #tpu.memory_space<vmem>>, vector<16xi32>,
      %get3A_95 = vector.shape_cast %get3A_94 : vector<16xi32> to vector<16xi32>
      %lt3A = arith.constant 50176 : i32
      %lt3A_96 = vector.broadcast %lt3A : i32 to vector<16xi32>
      %lt3A_97 = arith.cmpi slt, %get3A_95, %lt3A_96 : vector<16xi32>
      %sub3A = arith.constant 50176 : i32
      %sub3A_98 = vector.broadcast %sub3A : i32 to vector<16xi32>
      %sub3A_99 = arith.subi %get3A_95, %sub3A_98 : vector<16xi32>
      %select_n3A = arith.select %lt3A_97, %get3A_95, %sub3A_99 : vector<16xi1>, vector<16xi32>
      %mul3A_100 = arith.constant 16 : i32
      %mul3A_101 = arith.muli %scan3A_90, %mul3A_100 : i32
      %swap3A = arith.index_cast %mul3A_101 : i32 to index
      %swap3A_102 = tpu.vector_load %arg8[%swap3A] {strides = array<i32>} : memref<256xi32, #tpu.memory_space<vmem>>, vector<16xi32>,
      %swap3A_103 = vector.shape_cast %swap3A_102 : vector<16xi32> to vector<16xi32>
      %swap3A_104 = vector.shape_cast %select_n3A : vector<16xi32> to vector<16xi32>
      tpu.vector_store %arg8[%swap3A], %swap3A_104 {strides = array<i32>} : memref<256xi32, #tpu.memory_space<vmem>>, vector<16xi32>,
      %scan3A_105 = arith.constant 0 : i32
      scf.yield %scan3A_105 : i32
    }
    %scan3A_10 = arith.constant 16 : i32
    %dma_start3A = arith.constant 0 : i32
    %dma_start3A_11 = arith.constant 0 : i32
    %dma_start3A_12 = tpu.memref_slice %arg4[%dma_start3A, %dma_start3A_11] : memref<50176x128xf32, #tpu.memory_space<hbm>> -> memref<50176x128xf32, #tpu.memory_space<hbm>>
    tpu.enqueue_indirect_dma source(%dma_start3A_12 : memref<50176x128xf32, #tpu.memory_space<hbm>>) target(%arg10 : memref<256x128xf32, #tpu.memory_space<vmem>>) offsets(%arg8 : memref<256xi32, #tpu.memory_space<vmem>>) semaphore(%arg12 : memref<!tpu.dma_semaphore, #tpu.memory_space<semaphore_mem>>)
    "tpu.region"() ({
      %run_scoped3A = tpu.sem_alloc : memref<!tpu.dma_semaphore, #tpu.memory_space<semaphore_mem>>
      %dma_start3A_90 = tpu.memref_slice %arg3[%add3A_4] : memref<16384xi32, #tpu.memory_space<hbm>> -> memref<256xi32, #tpu.memory_space<hbm>>
      %dma_start3A_91 = tpu.memref_slice %arg3[%add3A_4] : memref<16384xi32, #tpu.memory_space<hbm>> -> memref<256xi32, #tpu.memory_space<hbm>>
      tpu.enqueue_dma source(%dma_start3A_91 : memref<256xi32, #tpu.memory_space<hbm>>) target(%arg9 : memref<256xi32, #tpu.memory_space<vmem>>) target_semaphore(%run_scoped3A : memref<!tpu.dma_semaphore, #tpu.memory_space<semaphore_mem>>)
      %dma_wait3A_92 = tpu.memref_slice %arg3[%add3A_4] : memref<16384xi32, #tpu.memory_space<hbm>> -> memref<256xi32, #tpu.memory_space<hbm>>
      %dma_wait3A_93 = tpu.memref_slice %arg3[%add3A_4] : memref<16384xi32, #tpu.memory_space<hbm>> -> memref<256xi32, #tpu.memory_space<hbm>>
      tpu.wait_dma2 semaphore(%run_scoped3A : memref<!tpu.dma_semaphore, #tpu.memory_space<semaphore_mem>>) src(%dma_wait3A_93 : memref<256xi32, #tpu.memory_space<hbm>>) dst(%arg9 : memref<256xi32, #tpu.memory_space<vmem>>)
      tpu.yield
    }) : () -> ()
    %scan3A_13 = arith.constant 0 : i32
    %scan3A_14 = arith.constant 0 : i32
    %scan3A_15 = arith.constant 16 : i32
    %scan3A_16 = arith.addi %scan3A_14, %scan3A_15 : i32
    %scan3A_17 = arith.constant 1 : i32
    %scan3A_18 = scf.for %scan3A_90 = %scan3A_14 to %scan3A_16 step %scan3A_17 iter_args(%scan3A_91 = %scan3A_13) -> (i32)  : i32 {
      %mul3A_92 = arith.constant 16 : i32
      %mul3A_93 = arith.muli %scan3A_90, %mul3A_92 : i32
      %get3A = arith.index_cast %mul3A_93 : i32 to index
      %get3A_94 = tpu.vector_load %arg9[%get3A] {strides = array<i32>} : memref<256xi32, #tpu.memory_space<vmem>>, vector<16xi32>,
      %get3A_95 = vector.shape_cast %get3A_94 : vector<16xi32> to vector<16xi32>
      %lt3A = arith.constant 50176 : i32
      %lt3A_96 = vector.broadcast %lt3A : i32 to vector<16xi32>
      %lt3A_97 = arith.cmpi slt, %get3A_95, %lt3A_96 : vector<16xi32>
      %sub3A = arith.constant 50176 : i32
      %sub3A_98 = vector.broadcast %sub3A : i32 to vector<16xi32>
      %sub3A_99 = arith.subi %get3A_95, %sub3A_98 : vector<16xi32>
      %select_n3A = arith.select %lt3A_97, %get3A_95, %sub3A_99 : vector<16xi1>, vector<16xi32>
      %mul3A_100 = arith.constant 16 : i32
      %mul3A_101 = arith.muli %scan3A_90, %mul3A_100 : i32
      %swap3A = arith.index_cast %mul3A_101 : i32 to index
      %swap3A_102 = tpu.vector_load %arg9[%swap3A] {strides = array<i32>} : memref<256xi32, #tpu.memory_space<vmem>>, vector<16xi32>,
      %swap3A_103 = vector.shape_cast %swap3A_102 : vector<16xi32> to vector<16xi32>
      %swap3A_104 = vector.shape_cast %select_n3A : vector<16xi32> to vector<16xi32>
      tpu.vector_store %arg9[%swap3A], %swap3A_104 {strides = array<i32>} : memref<256xi32, #tpu.memory_space<vmem>>, vector<16xi32>,
      %scan3A_105 = arith.constant 0 : i32
      scf.yield %scan3A_105 : i32
    }
    %scan3A_19 = arith.constant 16 : i32
    %dma_start3A_20 = arith.constant 0 : i32
    %dma_start3A_21 = arith.constant 0 : i32
    %dma_start3A_22 = tpu.memref_slice %arg5[%dma_start3A_20, %dma_start3A_21] : memref<50176x128xf32, #tpu.memory_space<hbm>> -> memref<50176x128xf32, #tpu.memory_space<hbm>>
    tpu.enqueue_indirect_dma source(%dma_start3A_22 : memref<50176x128xf32, #tpu.memory_space<hbm>>) target(%arg11 : memref<256x128xf32, #tpu.memory_space<vmem>>) offsets(%arg9 : memref<256xi32, #tpu.memory_space<vmem>>) semaphore(%arg13 : memref<!tpu.dma_semaphore, #tpu.memory_space<semaphore_mem>>)
    %dma_wait3A = arith.constant 0 : i32
    %dma_wait3A_23 = arith.constant 0 : i32
    %dma_wait3A_24 = tpu.memref_slice %arg4[%dma_wait3A, %dma_wait3A_23] : memref<50176x128xf32, #tpu.memory_space<hbm>> -> memref<50176x128xf32, #tpu.memory_space<hbm>>
    tpu.wait_indirect_dma semaphore(%arg12 : memref<!tpu.dma_semaphore, #tpu.memory_space<semaphore_mem>>) src(%dma_wait3A_24 : memref<50176x128xf32, #tpu.memory_space<hbm>>) dst(%arg10 : memref<256x128xf32, #tpu.memory_space<vmem>>)
    %dma_start3A_25 = arith.constant 0 : i32
    %dma_start3A_26 = tpu.memref_slice %arg6[%add3A_4, %dma_start3A_25] : memref<16384x128xf32, #tpu.memory_space<hbm>> -> memref<256x128xf32, #tpu.memory_space<hbm>>
    %dma_start3A_27 = arith.constant 0 : i32
    %dma_start3A_28 = tpu.memref_slice %arg6[%add3A_4, %dma_start3A_27] : memref<16384x128xf32, #tpu.memory_space<hbm>> -> memref<256x128xf32, #tpu.memory_space<hbm>>
    tpu.enqueue_dma source(%arg10 : memref<256x128xf32, #tpu.memory_space<vmem>>) target(%dma_start3A_28 : memref<256x128xf32, #tpu.memory_space<hbm>>) target_semaphore(%arg14 : memref<!tpu.dma_semaphore, #tpu.memory_space<semaphore_mem>>)
    %dma_wait3A_29 = arith.constant 0 : i32
    %dma_wait3A_30 = arith.constant 0 : i32
    %dma_wait3A_31 = tpu.memref_slice %arg5[%dma_wait3A_29, %dma_wait3A_30] : memref<50176x128xf32, #tpu.memory_space<hbm>> -> memref<50176x128xf32, #tpu.memory_space<hbm>>
    tpu.wait_indirect_dma semaphore(%arg13 : memref<!tpu.dma_semaphore, #tpu.memory_space<semaphore_mem>>) src(%dma_wait3A_31 : memref<50176x128xf32, #tpu.memory_space<hbm>>) dst(%arg11 : memref<256x128xf32, #tpu.memory_space<vmem>>)
    %dma_start3A_32 = arith.constant 0 : i32
    %dma_start3A_33 = tpu.memref_slice %arg7[%add3A_4, %dma_start3A_32] : memref<16384x128xf32, #tpu.memory_space<hbm>> -> memref<256x128xf32, #tpu.memory_space<hbm>>
    %dma_start3A_34 = arith.constant 0 : i32
    %dma_start3A_35 = tpu.memref_slice %arg7[%add3A_4, %dma_start3A_34] : memref<16384x128xf32, #tpu.memory_space<hbm>> -> memref<256x128xf32, #tpu.memory_space<hbm>>
    tpu.enqueue_dma source(%arg11 : memref<256x128xf32, #tpu.memory_space<vmem>>) target(%dma_start3A_35 : memref<256x128xf32, #tpu.memory_space<hbm>>) target_semaphore(%arg15 : memref<!tpu.dma_semaphore, #tpu.memory_space<semaphore_mem>>)
    %dma_wait3A_36 = arith.constant 0 : i32
    %dma_wait3A_37 = tpu.memref_slice %arg6[%add3A_4, %dma_wait3A_36] : memref<16384x128xf32, #tpu.memory_space<hbm>> -> memref<256x128xf32, #tpu.memory_space<hbm>>
    %dma_wait3A_38 = arith.constant 0 : i32
    %dma_wait3A_39 = tpu.memref_slice %arg6[%add3A_4, %dma_wait3A_38] : memref<16384x128xf32, #tpu.memory_space<hbm>> -> memref<256x128xf32, #tpu.memory_space<hbm>>
    tpu.wait_dma2 semaphore(%arg14 : memref<!tpu.dma_semaphore, #tpu.memory_space<semaphore_mem>>) src(%arg10 : memref<256x128xf32, #tpu.memory_space<vmem>>) dst(%dma_wait3A_39 : memref<256x128xf32, #tpu.memory_space<hbm>>)
    %dma_wait3A_40 = arith.constant 0 : i32
    %dma_wait3A_41 = tpu.memref_slice %arg7[%add3A_4, %dma_wait3A_40] : memref<16384x128xf32, #tpu.memory_space<hbm>> -> memref<256x128xf32, #tpu.memory_space<hbm>>
    %dma_wait3A_42 = arith.constant 0 : i32
    %dma_wait3A_43 = tpu.memref_slice %arg7[%add3A_4, %dma_wait3A_42] : memref<16384x128xf32, #tpu.memory_space<hbm>> -> memref<256x128xf32, #tpu.memory_space<hbm>>
    tpu.wait_dma2 semaphore(%arg15 : memref<!tpu.dma_semaphore, #tpu.memory_space<semaphore_mem>>) src(%arg11 : memref<256x128xf32, #tpu.memory_space<vmem>>) dst(%dma_wait3A_43 : memref<256x128xf32, #tpu.memory_space<hbm>>)
    %mul3A_44 = arith.constant 512 : i32
    %mul3A_45 = arith.muli %add3A, %mul3A_44 : i32
    %add3A_46 = arith.constant 256 : i32
    %add3A_47 = arith.addi %mul3A_45, %add3A_46 : i32
    "tpu.region"() ({
      %run_scoped3A = tpu.sem_alloc : memref<!tpu.dma_semaphore, #tpu.memory_space<semaphore_mem>>
      %dma_start3A_90 = tpu.memref_slice %arg2[%add3A_47] : memref<16384xi32, #tpu.memory_space<hbm>> -> memref<256xi32, #tpu.memory_space<hbm>>
      %dma_start3A_91 = tpu.memref_slice %arg2[%add3A_47] : memref<16384xi32, #tpu.memory_space<hbm>> -> memref<256xi32, #tpu.memory_space<hbm>>
      tpu.enqueue_dma source(%dma_start3A_91 : memref<256xi32, #tpu.memory_space<hbm>>) target(%arg8 : memref<256xi32, #tpu.memory_space<vmem>>) target_semaphore(%run_scoped3A : memref<!tpu.dma_semaphore, #tpu.memory_space<semaphore_mem>>)
      %dma_wait3A_92 = tpu.memref_slice %arg2[%add3A_47] : memref<16384xi32, #tpu.memory_space<hbm>> -> memref<256xi32, #tpu.memory_space<hbm>>
      %dma_wait3A_93 = tpu.memref_slice %arg2[%add3A_47] : memref<16384xi32, #tpu.memory_space<hbm>> -> memref<256xi32, #tpu.memory_space<hbm>>
      tpu.wait_dma2 semaphore(%run_scoped3A : memref<!tpu.dma_semaphore, #tpu.memory_space<semaphore_mem>>) src(%dma_wait3A_93 : memref<256xi32, #tpu.memory_space<hbm>>) dst(%arg8 : memref<256xi32, #tpu.memory_space<vmem>>)
      tpu.yield
    }) : () -> ()
    %scan3A_48 = arith.constant 0 : i32
    %scan3A_49 = arith.constant 0 : i32
    %scan3A_50 = arith.constant 16 : i32
    %scan3A_51 = arith.addi %scan3A_49, %scan3A_50 : i32
    %scan3A_52 = arith.constant 1 : i32
    %scan3A_53 = scf.for %scan3A_90 = %scan3A_49 to %scan3A_51 step %scan3A_52 iter_args(%scan3A_91 = %scan3A_48) -> (i32)  : i32 {
      %mul3A_92 = arith.constant 16 : i32
      %mul3A_93 = arith.muli %scan3A_90, %mul3A_92 : i32
      %get3A = arith.index_cast %mul3A_93 : i32 to index
      %get3A_94 = tpu.vector_load %arg8[%get3A] {strides = array<i32>} : memref<256xi32, #tpu.memory_space<vmem>>, vector<16xi32>,
      %get3A_95 = vector.shape_cast %get3A_94 : vector<16xi32> to vector<16xi32>
      %lt3A = arith.constant 50176 : i32
      %lt3A_96 = vector.broadcast %lt3A : i32 to vector<16xi32>
      %lt3A_97 = arith.cmpi slt, %get3A_95, %lt3A_96 : vector<16xi32>
      %sub3A = arith.constant 50176 : i32
      %sub3A_98 = vector.broadcast %sub3A : i32 to vector<16xi32>
      %sub3A_99 = arith.subi %get3A_95, %sub3A_98 : vector<16xi32>
      %select_n3A = arith.select %lt3A_97, %get3A_95, %sub3A_99 : vector<16xi1>, vector<16xi32>
      %mul3A_100 = arith.constant 16 : i32
      %mul3A_101 = arith.muli %scan3A_90, %mul3A_100 : i32
      %swap3A = arith.index_cast %mul3A_101 : i32 to index
      %swap3A_102 = tpu.vector_load %arg8[%swap3A] {strides = array<i32>} : memref<256xi32, #tpu.memory_space<vmem>>, vector<16xi32>,
      %swap3A_103 = vector.shape_cast %swap3A_102 : vector<16xi32> to vector<16xi32>
      %swap3A_104 = vector.shape_cast %select_n3A : vector<16xi32> to vector<16xi32>
      tpu.vector_store %arg8[%swap3A], %swap3A_104 {strides = array<i32>} : memref<256xi32, #tpu.memory_space<vmem>>, vector<16xi32>,
      %scan3A_105 = arith.constant 0 : i32
      scf.yield %scan3A_105 : i32
    }
    %scan3A_54 = arith.constant 16 : i32
    %dma_start3A_55 = arith.constant 0 : i32
    %dma_start3A_56 = arith.constant 0 : i32
    %dma_start3A_57 = tpu.memref_slice %arg4[%dma_start3A_55, %dma_start3A_56] : memref<50176x128xf32, #tpu.memory_space<hbm>> -> memref<50176x128xf32, #tpu.memory_space<hbm>>
    tpu.enqueue_indirect_dma source(%dma_start3A_57 : memref<50176x128xf32, #tpu.memory_space<hbm>>) target(%arg10 : memref<256x128xf32, #tpu.memory_space<vmem>>) offsets(%arg8 : memref<256xi32, #tpu.memory_space<vmem>>) semaphore(%arg12 : memref<!tpu.dma_semaphore, #tpu.memory_space<semaphore_mem>>)
    "tpu.region"() ({
      %run_scoped3A = tpu.sem_alloc : memref<!tpu.dma_semaphore, #tpu.memory_space<semaphore_mem>>
      %dma_start3A_90 = tpu.memref_slice %arg3[%add3A_47] : memref<16384xi32, #tpu.memory_space<hbm>> -> memref<256xi32, #tpu.memory_space<hbm>>
      %dma_start3A_91 = tpu.memref_slice %arg3[%add3A_47] : memref<16384xi32, #tpu.memory_space<hbm>> -> memref<256xi32, #tpu.memory_space<hbm>>
      tpu.enqueue_dma source(%dma_start3A_91 : memref<256xi32, #tpu.memory_space<hbm>>) target(%arg9 : memref<256xi32, #tpu.memory_space<vmem>>) target_semaphore(%run_scoped3A : memref<!tpu.dma_semaphore, #tpu.memory_space<semaphore_mem>>)
      %dma_wait3A_92 = tpu.memref_slice %arg3[%add3A_47] : memref<16384xi32, #tpu.memory_space<hbm>> -> memref<256xi32, #tpu.memory_space<hbm>>
      %dma_wait3A_93 = tpu.memref_slice %arg3[%add3A_47] : memref<16384xi32, #tpu.memory_space<hbm>> -> memref<256xi32, #tpu.memory_space<hbm>>
      tpu.wait_dma2 semaphore(%run_scoped3A : memref<!tpu.dma_semaphore, #tpu.memory_space<semaphore_mem>>) src(%dma_wait3A_93 : memref<256xi32, #tpu.memory_space<hbm>>) dst(%arg9 : memref<256xi32, #tpu.memory_space<vmem>>)
      tpu.yield
    }) : () -> ()
    %scan3A_58 = arith.constant 0 : i32
    %scan3A_59 = arith.constant 0 : i32
    %scan3A_60 = arith.constant 16 : i32
    %scan3A_61 = arith.addi %scan3A_59, %scan3A_60 : i32
    %scan3A_62 = arith.constant 1 : i32
    %scan3A_63 = scf.for %scan3A_90 = %scan3A_59 to %scan3A_61 step %scan3A_62 iter_args(%scan3A_91 = %scan3A_58) -> (i32)  : i32 {
      %mul3A_92 = arith.constant 16 : i32
      %mul3A_93 = arith.muli %scan3A_90, %mul3A_92 : i32
      %get3A = arith.index_cast %mul3A_93 : i32 to index
      %get3A_94 = tpu.vector_load %arg9[%get3A] {strides = array<i32>} : memref<256xi32, #tpu.memory_space<vmem>>, vector<16xi32>,
      %get3A_95 = vector.shape_cast %get3A_94 : vector<16xi32> to vector<16xi32>
      %lt3A = arith.constant 50176 : i32
      %lt3A_96 = vector.broadcast %lt3A : i32 to vector<16xi32>
      %lt3A_97 = arith.cmpi slt, %get3A_95, %lt3A_96 : vector<16xi32>
      %sub3A = arith.constant 50176 : i32
      %sub3A_98 = vector.broadcast %sub3A : i32 to vector<16xi32>
      %sub3A_99 = arith.subi %get3A_95, %sub3A_98 : vector<16xi32>
      %select_n3A = arith.select %lt3A_97, %get3A_95, %sub3A_99 : vector<16xi1>, vector<16xi32>
      %mul3A_100 = arith.constant 16 : i32
      %mul3A_101 = arith.muli %scan3A_90, %mul3A_100 : i32
      %swap3A = arith.index_cast %mul3A_101 : i32 to index
      %swap3A_102 = tpu.vector_load %arg9[%swap3A] {strides = array<i32>} : memref<256xi32, #tpu.memory_space<vmem>>, vector<16xi32>,
      %swap3A_103 = vector.shape_cast %swap3A_102 : vector<16xi32> to vector<16xi32>
      %swap3A_104 = vector.shape_cast %select_n3A : vector<16xi32> to vector<16xi32>
      tpu.vector_store %arg9[%swap3A], %swap3A_104 {strides = array<i32>} : memref<256xi32, #tpu.memory_space<vmem>>, vector<16xi32>,
      %scan3A_105 = arith.constant 0 : i32
      scf.yield %scan3A_105 : i32
    }
    %scan3A_64 = arith.constant 16 : i32
    %dma_start3A_65 = arith.constant 0 : i32
    %dma_start3A_66 = arith.constant 0 : i32
    %dma_start3A_67 = tpu.memref_slice %arg5[%dma_start3A_65, %dma_start3A_66] : memref<50176x128xf32, #tpu.memory_space<hbm>> -> memref<50176x128xf32, #tpu.memory_space<hbm>>
    tpu.enqueue_indirect_dma source(%dma_start3A_67 : memref<50176x128xf32, #tpu.memory_space<hbm>>) target(%arg11 : memref<256x128xf32, #tpu.memory_space<vmem>>) offsets(%arg9 : memref<256xi32, #tpu.memory_space<vmem>>) semaphore(%arg13 : memref<!tpu.dma_semaphore, #tpu.memory_space<semaphore_mem>>)
    %dma_wait3A_68 = arith.constant 0 : i32
    %dma_wait3A_69 = arith.constant 0 : i32
    %dma_wait3A_70 = tpu.memref_slice %arg4[%dma_wait3A_68, %dma_wait3A_69] : memref<50176x128xf32, #tpu.memory_space<hbm>> -> memref<50176x128xf32, #tpu.memory_space<hbm>>
    tpu.wait_indirect_dma semaphore(%arg12 : memref<!tpu.dma_semaphore, #tpu.memory_space<semaphore_mem>>) src(%dma_wait3A_70 : memref<50176x128xf32, #tpu.memory_space<hbm>>) dst(%arg10 : memref<256x128xf32, #tpu.memory_space<vmem>>)
    %dma_start3A_71 = arith.constant 0 : i32
    %dma_start3A_72 = tpu.memref_slice %arg6[%add3A_47, %dma_start3A_71] : memref<16384x128xf32, #tpu.memory_space<hbm>> -> memref<256x128xf32, #tpu.memory_space<hbm>>
    %dma_start3A_73 = arith.constant 0 : i32
    %dma_start3A_74 = tpu.memref_slice %arg6[%add3A_47, %dma_start3A_73] : memref<16384x128xf32, #tpu.memory_space<hbm>> -> memref<256x128xf32, #tpu.memory_space<hbm>>
    tpu.enqueue_dma source(%arg10 : memref<256x128xf32, #tpu.memory_space<vmem>>) target(%dma_start3A_74 : memref<256x128xf32, #tpu.memory_space<hbm>>) target_semaphore(%arg14 : memref<!tpu.dma_semaphore, #tpu.memory_space<semaphore_mem>>)
    %dma_wait3A_75 = arith.constant 0 : i32
    %dma_wait3A_76 = arith.constant 0 : i32
    %dma_wait3A_77 = tpu.memref_slice %arg5[%dma_wait3A_75, %dma_wait3A_76] : memref<50176x128xf32, #tpu.memory_space<hbm>> -> memref<50176x128xf32, #tpu.memory_space<hbm>>
    tpu.wait_indirect_dma semaphore(%arg13 : memref<!tpu.dma_semaphore, #tpu.memory_space<semaphore_mem>>) src(%dma_wait3A_77 : memref<50176x128xf32, #tpu.memory_space<hbm>>) dst(%arg11 : memref<256x128xf32, #tpu.memory_space<vmem>>)
    %dma_start3A_78 = arith.constant 0 : i32
    %dma_start3A_79 = tpu.memref_slice %arg7[%add3A_47, %dma_start3A_78] : memref<16384x128xf32, #tpu.memory_space<hbm>> -> memref<256x128xf32, #tpu.memory_space<hbm>>
    %dma_start3A_80 = arith.constant 0 : i32
    %dma_start3A_81 = tpu.memref_slice %arg7[%add3A_47, %dma_start3A_80] : memref<16384x128xf32, #tpu.memory_space<hbm>> -> memref<256x128xf32, #tpu.memory_space<hbm>>
    tpu.enqueue_dma source(%arg11 : memref<256x128xf32, #tpu.memory_space<vmem>>) target(%dma_start3A_81 : memref<256x128xf32, #tpu.memory_space<hbm>>) target_semaphore(%arg15 : memref<!tpu.dma_semaphore, #tpu.memory_space<semaphore_mem>>)
    %dma_wait3A_82 = arith.constant 0 : i32
    %dma_wait3A_83 = tpu.memref_slice %arg6[%add3A_47, %dma_wait3A_82] : memref<16384x128xf32, #tpu.memory_space<hbm>> -> memref<256x128xf32, #tpu.memory_space<hbm>>
    %dma_wait3A_84 = arith.constant 0 : i32
    %dma_wait3A_85 = tpu.memref_slice %arg6[%add3A_47, %dma_wait3A_84] : memref<16384x128xf32, #tpu.memory_space<hbm>> -> memref<256x128xf32, #tpu.memory_space<hbm>>
    tpu.wait_dma2 semaphore(%arg14 : memref<!tpu.dma_semaphore, #tpu.memory_space<semaphore_mem>>) src(%arg10 : memref<256x128xf32, #tpu.memory_space<vmem>>) dst(%dma_wait3A_85 : memref<256x128xf32, #tpu.memory_space<hbm>>)
    %dma_wait3A_86 = arith.constant 0 : i32
    %dma_wait3A_87 = tpu.memref_slice %arg7[%add3A_47, %dma_wait3A_86] : memref<16384x128xf32, #tpu.memory_space<hbm>> -> memref<256x128xf32, #tpu.memory_space<hbm>>
    %dma_wait3A_88 = arith.constant 0 : i32
    %dma_wait3A_89 = tpu.memref_slice %arg7[%add3A_47, %dma_wait3A_88] : memref<16384x128xf32, #tpu.memory_space<hbm>> -> memref<256x128xf32, #tpu.memory_space<hbm>>
    tpu.wait_dma2 semaphore(%arg15 : memref<!tpu.dma_semaphore, #tpu.memory_space<semaphore_mem>>) src(%arg11 : memref<256x128xf32, #tpu.memory_space<vmem>>) dst(%dma_wait3A_89 : memref<256x128xf32, #tpu.memory_space<hbm>>)
    return
  }
}

module attributes {stable_mosaic.version = 14 : i64} {
  func.func @_pack_body(%arg0: i32, %arg1: memref<64x1024xf32, #tpu.memory_space<vmem>>, %arg2: memref<64x1024xf32, #tpu.memory_space<vmem>>, %arg3: memref<64x1024xf32, #tpu.memory_space<vmem>>, %arg4: memref<64x1024xf32, #tpu.memory_space<vmem>>, %arg5: memref<64x64xf32, #tpu.memory_space<vmem>>, %arg6: memref<1024x128xf32, #tpu.memory_space<vmem>>, %arg7: memref<1024x128xf32, #tpu.memory_space<vmem>>) attributes {dimension_semantics = [#tpu.dimension_semantics<arbitrary>], iteration_bounds = array<i64: 49>, scalar_prefetch = 0 : i64, scratch_operands = 0 : i64, tpu.core_type = #tpu.core_type<tc>, window_params = [{transform_indices = @transform_0, window_bounds = array<i64: 64, 1024>}, {transform_indices = @transform_1, window_bounds = array<i64: 64, 1024>}, {transform_indices = @transform_2, window_bounds = array<i64: 64, 1024>}, {transform_indices = @transform_3, window_bounds = array<i64: 64, 1024>}, {pipeline_mode = #tpu.pipeline_mode<synchronous>, transform_indices = @transform_4, window_bounds = array<i64: 64, 64>}, {transform_indices = @transform_5, window_bounds = array<i64: 1024, 128>}, {transform_indices = @transform_6, window_bounds = array<i64: 1024, 128>}]} {
    %get3A = arith.constant 0 : index
    %get3A_0 = arith.constant 0 : index
    %get3A_1 = vector.load %arg1[%get3A, %get3A_0] : memref<64x1024xf32, #tpu.memory_space<vmem>>, vector<64x1024xf32>
    %get3A_2 = arith.constant 0 : index
    %get3A_3 = arith.constant 0 : index
    %get3A_4 = vector.load %arg5[%get3A_2, %get3A_3] : memref<64x64xf32, #tpu.memory_space<vmem>>, vector<64x64xf32>
    %dot_general3A = arith.constant dense<0.000000e+00> : vector<1024x64xf32>
    %dot_general3A_5 = tpu.matmul %get3A_1, %get3A_4, %dot_general3A {dimension_numbers = #tpu.dot_dimension_numbers<[0], [0], [1], [1], [0, 1, 1, 1], [], []>, transpose_lhs_hint = false} : vector<64x1024xf32>, vector<64x64xf32>, vector<1024x64xf32> -> vector<1024x64xf32>
    %get3A_6 = arith.constant 0 : index
    %get3A_7 = arith.constant 0 : index
    %get3A_8 = vector.load %arg2[%get3A_6, %get3A_7] : memref<64x1024xf32, #tpu.memory_space<vmem>>, vector<64x1024xf32>
    %get3A_9 = arith.constant 0 : index
    %get3A_10 = arith.constant 0 : index
    %get3A_11 = vector.load %arg5[%get3A_9, %get3A_10] : memref<64x64xf32, #tpu.memory_space<vmem>>, vector<64x64xf32>
    %dot_general3A_12 = arith.constant dense<0.000000e+00> : vector<1024x64xf32>
    %dot_general3A_13 = tpu.matmul %get3A_8, %get3A_11, %dot_general3A_12 {dimension_numbers = #tpu.dot_dimension_numbers<[0], [0], [1], [1], [0, 1, 1, 1], [], []>, transpose_lhs_hint = false} : vector<64x1024xf32>, vector<64x64xf32>, vector<1024x64xf32> -> vector<1024x64xf32>
    %get3A_14 = arith.constant 0 : index
    %get3A_15 = arith.constant 0 : index
    %get3A_16 = vector.load %arg3[%get3A_14, %get3A_15] : memref<64x1024xf32, #tpu.memory_space<vmem>>, vector<64x1024xf32>
    %get3A_17 = arith.constant 0 : index
    %get3A_18 = arith.constant 0 : index
    %get3A_19 = vector.load %arg5[%get3A_17, %get3A_18] : memref<64x64xf32, #tpu.memory_space<vmem>>, vector<64x64xf32>
    %dot_general3A_20 = arith.constant dense<0.000000e+00> : vector<1024x64xf32>
    %dot_general3A_21 = tpu.matmul %get3A_16, %get3A_19, %dot_general3A_20 {dimension_numbers = #tpu.dot_dimension_numbers<[0], [0], [1], [1], [0, 1, 1, 1], [], []>, transpose_lhs_hint = false} : vector<64x1024xf32>, vector<64x64xf32>, vector<1024x64xf32> -> vector<1024x64xf32>
    %get3A_22 = arith.constant 0 : index
    %get3A_23 = arith.constant 0 : index
    %get3A_24 = vector.load %arg4[%get3A_22, %get3A_23] : memref<64x1024xf32, #tpu.memory_space<vmem>>, vector<64x1024xf32>
    %get3A_25 = arith.constant 0 : index
    %get3A_26 = arith.constant 0 : index
    %get3A_27 = vector.load %arg5[%get3A_25, %get3A_26] : memref<64x64xf32, #tpu.memory_space<vmem>>, vector<64x64xf32>
    %dot_general3A_28 = arith.constant dense<0.000000e+00> : vector<1024x64xf32>
    %dot_general3A_29 = tpu.matmul %get3A_24, %get3A_27, %dot_general3A_28 {dimension_numbers = #tpu.dot_dimension_numbers<[0], [0], [1], [1], [0, 1, 1, 1], [], []>, transpose_lhs_hint = false} : vector<64x1024xf32>, vector<64x64xf32>, vector<1024x64xf32> -> vector<1024x64xf32>
    %concatenate3A = tpu.concatenate %dot_general3A_5, %dot_general3A_13 in 1 : vector<1024x64xf32>, vector<1024x64xf32> -> vector<1024x128xf32>
    %swap3A = arith.constant 0 : index
    %swap3A_30 = arith.constant 0 : index
    %swap3A_31 = vector.load %arg6[%swap3A, %swap3A_30] : memref<1024x128xf32, #tpu.memory_space<vmem>>, vector<1024x128xf32>
    tpu.vector_store %arg6[%swap3A, %swap3A_30], %concatenate3A {strides = array<i32>} : memref<1024x128xf32, #tpu.memory_space<vmem>>, vector<1024x128xf32>,
    %concatenate3A_32 = tpu.concatenate %dot_general3A_21, %dot_general3A_29 in 1 : vector<1024x64xf32>, vector<1024x64xf32> -> vector<1024x128xf32>
    %swap3A_33 = arith.constant 0 : index
    %swap3A_34 = arith.constant 0 : index
    %swap3A_35 = vector.load %arg7[%swap3A_33, %swap3A_34] : memref<1024x128xf32, #tpu.memory_space<vmem>>, vector<1024x128xf32>
    tpu.vector_store %arg7[%swap3A_33, %swap3A_34], %concatenate3A_32 {strides = array<i32>} : memref<1024x128xf32, #tpu.memory_space<vmem>>, vector<1024x128xf32>,
    return
  }
  func.func @transform_0(%arg0: i32) -> (i32, i32) {
    %c0_i32 = arith.constant 0 : i32
    %c0_i32_0 = arith.constant 0 : i32
    return %c0_i32, %arg0 : i32, i32
  }
  func.func @transform_1(%arg0: i32) -> (i32, i32) {
    %add3A = arith.constant 49 : i32
    %add3A_0 = arith.addi %arg0, %add3A : i32
    %c0_i32 = arith.constant 0 : i32
    %c0_i32_1 = arith.constant 0 : i32
    return %c0_i32, %add3A_0 : i32, i32
  }
  func.func @transform_2(%arg0: i32) -> (i32, i32) {
    %c0_i32 = arith.constant 0 : i32
    %c0_i32_0 = arith.constant 0 : i32
    return %c0_i32, %arg0 : i32, i32
  }
  func.func @transform_3(%arg0: i32) -> (i32, i32) {
    %add3A = arith.constant 49 : i32
    %add3A_0 = arith.addi %arg0, %add3A : i32
    %c0_i32 = arith.constant 0 : i32
    %c0_i32_1 = arith.constant 0 : i32
    return %c0_i32, %add3A_0 : i32, i32
  }
  func.func @transform_4(%arg0: i32) -> (i32, i32) {
    %c0_i32 = arith.constant 0 : i32
    %c0_i32_0 = arith.constant 0 : i32
    %c0_i32_1 = arith.constant 0 : i32
    return %c0_i32, %c0_i32_0 : i32, i32
  }
  func.func @transform_5(%arg0: i32) -> (i32, i32) {
    %c0_i32 = arith.constant 0 : i32
    %c0_i32_0 = arith.constant 0 : i32
    return %arg0, %c0_i32 : i32, i32
  }
  func.func @transform_6(%arg0: i32) -> (i32, i32) {
    %c0_i32 = arith.constant 0 : i32
    %c0_i32_0 = arith.constant 0 : i32
    return %arg0, %c0_i32 : i32, i32
  }
}

module attributes {stable_mosaic.version = 14 : i64} {
  func.func @_mlp_body(%arg0: i32, %arg1: memref<1024x128xf32, #tpu.memory_space<vmem>>, %arg2: memref<1024x128xf32, #tpu.memory_space<vmem>>, %arg3: memref<1024x1xi32, #tpu.memory_space<vmem>>, %arg4: memref<1024x1xi32, #tpu.memory_space<vmem>>, %arg5: memref<64x128xf32, #tpu.memory_space<vmem>>, %arg6: memref<1x128xf32, #tpu.memory_space<vmem>>, %arg7: memref<128x64xf32, #tpu.memory_space<vmem>>, %arg8: memref<1x64xf32, #tpu.memory_space<vmem>>, %arg9: memref<64x128xf32, #tpu.memory_space<vmem>>, %arg10: memref<1x128xf32, #tpu.memory_space<vmem>>, %arg11: memref<128x64xf32, #tpu.memory_space<vmem>>, %arg12: memref<1x64xf32, #tpu.memory_space<vmem>>, %arg13: memref<8x128xf32, #tpu.memory_space<vmem>>) attributes {dimension_semantics = [#tpu.dimension_semantics<arbitrary>], iteration_bounds = array<i64: 16>, scalar_prefetch = 0 : i64, scratch_operands = 0 : i64, tpu.core_type = #tpu.core_type<tc>, window_params = [{transform_indices = @transform_0, window_bounds = array<i64: 1024, 128>}, {transform_indices = @transform_1, window_bounds = array<i64: 1024, 128>}, {transform_indices = @transform_2, window_bounds = array<i64: 1024, 1>}, {transform_indices = @transform_3, window_bounds = array<i64: 1024, 1>}, {pipeline_mode = #tpu.pipeline_mode<synchronous>, transform_indices = @transform_4, window_bounds = array<i64: 64, 128>}, {pipeline_mode = #tpu.pipeline_mode<synchronous>, transform_indices = @transform_5, window_bounds = array<i64: 1, 128>}, {pipeline_mode = #tpu.pipeline_mode<synchronous>, transform_indices = @transform_6, window_bounds = array<i64: 128, 64>}, {pipeline_mode = #tpu.pipeline_mode<synchronous>, transform_indices = @transform_7, window_bounds = array<i64: 1, 64>}, {pipeline_mode = #tpu.pipeline_mode<synchronous>, transform_indices = @transform_8, window_bounds = array<i64: 64, 128>}, {pipeline_mode = #tpu.pipeline_mode<synchronous>, transform_indices = @transform_9, window_bounds = array<i64: 1, 128>}, {pipeline_mode = #tpu.pipeline_mode<synchronous>, transform_indices = @transform_10, window_bounds = array<i64: 128, 64>}, {pipeline_mode = #tpu.pipeline_mode<synchronous>, transform_indices = @transform_11, window_bounds = array<i64: 1, 64>}, {transform_indices = @transform_12, window_bounds = array<i64: 8, 128>}]} {
    %get3A = arith.constant 0 : index
    %get3A_0 = arith.constant 0 : index
    %get3A_1 = vector.load %arg3[%get3A, %get3A_0] : memref<1024x1xi32, #tpu.memory_space<vmem>>, vector<1024x1xi32>
    %lt3A = arith.constant 50176 : i32
    %lt3A_2 = vector.broadcast %lt3A : i32 to vector<1024x1xi32>
    %lt3A_3 = arith.cmpi slt, %get3A_1, %lt3A_2 : vector<1024x1xi32>
    %get3A_4 = arith.constant 0 : index
    %get3A_5 = arith.constant 0 : index
    %get3A_6 = vector.load %arg1[%get3A_4, %get3A_5] : memref<1024x128xf32, #tpu.memory_space<vmem>>, vector<1024x64xf32>
    %get3A_7 = arith.constant 0 : index
    %get3A_8 = arith.constant 64 : index
    %get3A_9 = vector.load %arg1[%get3A_7, %get3A_8] : memref<1024x128xf32, #tpu.memory_space<vmem>>, vector<1024x64xf32>
    %broadcast_in_dim3A = vector.shape_cast %lt3A_3 : vector<1024x1xi1> to vector<1024x1xi1>
    %broadcast_in_dim3A_10 = vector.broadcast %broadcast_in_dim3A : vector<1024x1xi1> to vector<1024x64xi1>
    %select_n3A = arith.select %broadcast_in_dim3A_10, %get3A_6, %get3A_9 : vector<1024x64xi1>, vector<1024x64xf32>
    %get3A_11 = arith.constant 0 : index
    %get3A_12 = arith.constant 0 : index
    %get3A_13 = vector.load %arg4[%get3A_11, %get3A_12] : memref<1024x1xi32, #tpu.memory_space<vmem>>, vector<1024x1xi32>
    %lt3A_14 = arith.constant 50176 : i32
    %lt3A_15 = vector.broadcast %lt3A_14 : i32 to vector<1024x1xi32>
    %lt3A_16 = arith.cmpi slt, %get3A_13, %lt3A_15 : vector<1024x1xi32>
    %get3A_17 = arith.constant 0 : index
    %get3A_18 = arith.constant 0 : index
    %get3A_19 = vector.load %arg2[%get3A_17, %get3A_18] : memref<1024x128xf32, #tpu.memory_space<vmem>>, vector<1024x64xf32>
    %get3A_20 = arith.constant 0 : index
    %get3A_21 = arith.constant 64 : index
    %get3A_22 = vector.load %arg2[%get3A_20, %get3A_21] : memref<1024x128xf32, #tpu.memory_space<vmem>>, vector<1024x64xf32>
    %broadcast_in_dim3A_23 = vector.shape_cast %lt3A_16 : vector<1024x1xi1> to vector<1024x1xi1>
    %broadcast_in_dim3A_24 = vector.broadcast %broadcast_in_dim3A_23 : vector<1024x1xi1> to vector<1024x64xi1>
    %select_n3A_25 = arith.select %broadcast_in_dim3A_24, %get3A_19, %get3A_22 : vector<1024x64xi1>, vector<1024x64xf32>
    %get3A_26 = arith.constant 0 : index
    %get3A_27 = arith.constant 0 : index
    %get3A_28 = vector.load %arg5[%get3A_26, %get3A_27] : memref<64x128xf32, #tpu.memory_space<vmem>>, vector<64x128xf32>
    %dot_general3A = arith.constant dense<0.000000e+00> : vector<1024x128xf32>
    %dot_general3A_29 = tpu.matmul %select_n3A, %get3A_28, %dot_general3A {dimension_numbers = #tpu.dot_dimension_numbers<[1], [0], [0], [1], [0, 0, 1, 1], [], []>, transpose_lhs_hint = false} : vector<1024x64xf32>, vector<64x128xf32>, vector<1024x128xf32> -> vector<1024x128xf32>
    %get3A_30 = arith.constant 0 : index
    %get3A_31 = arith.constant 0 : index
    %get3A_32 = vector.load %arg6[%get3A_30, %get3A_31] : memref<1x128xf32, #tpu.memory_space<vmem>>, vector<1x128xf32>
    %add3A = vector.broadcast %get3A_32 : vector<1x128xf32> to vector<1024x128xf32>
    %add3A_33 = arith.addf %dot_general3A_29, %add3A : vector<1024x128xf32>
    %max3A = arith.constant 0.000000e+00 : f32
    %max3A_34 = vector.broadcast %max3A : f32 to vector<1024x128xf32>
    %max3A_35 = arith.maximumf %add3A_33, %max3A_34 : vector<1024x128xf32>
    %get3A_36 = arith.constant 0 : index
    %get3A_37 = arith.constant 0 : index
    %get3A_38 = vector.load %arg7[%get3A_36, %get3A_37] : memref<128x64xf32, #tpu.memory_space<vmem>>, vector<128x64xf32>
    %dot_general3A_39 = arith.constant dense<0.000000e+00> : vector<1024x64xf32>
    %dot_general3A_40 = tpu.matmul %max3A_35, %get3A_38, %dot_general3A_39 {dimension_numbers = #tpu.dot_dimension_numbers<[1], [0], [0], [1], [0, 0, 1, 1], [], []>, transpose_lhs_hint = false} : vector<1024x128xf32>, vector<128x64xf32>, vector<1024x64xf32> -> vector<1024x64xf32>
    %get3A_41 = arith.constant 0 : index
    %get3A_42 = arith.constant 0 : index
    %get3A_43 = vector.load %arg8[%get3A_41, %get3A_42] : memref<1x64xf32, #tpu.memory_space<vmem>>, vector<1x64xf32>
    %add3A_44 = vector.broadcast %get3A_43 : vector<1x64xf32> to vector<1024x64xf32>
    %add3A_45 = arith.addf %dot_general3A_40, %add3A_44 : vector<1024x64xf32>
    %max3A_46 = arith.constant 0.000000e+00 : f32
    %max3A_47 = vector.broadcast %max3A_46 : f32 to vector<1024x64xf32>
    %max3A_48 = arith.maximumf %add3A_45, %max3A_47 : vector<1024x64xf32>
    %get3A_49 = arith.constant 0 : index
    %get3A_50 = arith.constant 0 : index
    %get3A_51 = vector.load %arg9[%get3A_49, %get3A_50] : memref<64x128xf32, #tpu.memory_space<vmem>>, vector<64x128xf32>
    %dot_general3A_52 = arith.constant dense<0.000000e+00> : vector<1024x128xf32>
    %dot_general3A_53 = tpu.matmul %select_n3A_25, %get3A_51, %dot_general3A_52 {dimension_numbers = #tpu.dot_dimension_numbers<[1], [0], [0], [1], [0, 0, 1, 1], [], []>, transpose_lhs_hint = false} : vector<1024x64xf32>, vector<64x128xf32>, vector<1024x128xf32> -> vector<1024x128xf32>
    %get3A_54 = arith.constant 0 : index
    %get3A_55 = arith.constant 0 : index
    %get3A_56 = vector.load %arg10[%get3A_54, %get3A_55] : memref<1x128xf32, #tpu.memory_space<vmem>>, vector<1x128xf32>
    %add3A_57 = vector.broadcast %get3A_56 : vector<1x128xf32> to vector<1024x128xf32>
    %add3A_58 = arith.addf %dot_general3A_53, %add3A_57 : vector<1024x128xf32>
    %max3A_59 = arith.constant 0.000000e+00 : f32
    %max3A_60 = vector.broadcast %max3A_59 : f32 to vector<1024x128xf32>
    %max3A_61 = arith.maximumf %add3A_58, %max3A_60 : vector<1024x128xf32>
    %get3A_62 = arith.constant 0 : index
    %get3A_63 = arith.constant 0 : index
    %get3A_64 = vector.load %arg11[%get3A_62, %get3A_63] : memref<128x64xf32, #tpu.memory_space<vmem>>, vector<128x64xf32>
    %dot_general3A_65 = arith.constant dense<0.000000e+00> : vector<1024x64xf32>
    %dot_general3A_66 = tpu.matmul %max3A_61, %get3A_64, %dot_general3A_65 {dimension_numbers = #tpu.dot_dimension_numbers<[1], [0], [0], [1], [0, 0, 1, 1], [], []>, transpose_lhs_hint = false} : vector<1024x128xf32>, vector<128x64xf32>, vector<1024x64xf32> -> vector<1024x64xf32>
    %get3A_67 = arith.constant 0 : index
    %get3A_68 = arith.constant 0 : index
    %get3A_69 = vector.load %arg12[%get3A_67, %get3A_68] : memref<1x64xf32, #tpu.memory_space<vmem>>, vector<1x64xf32>
    %add3A_70 = vector.broadcast %get3A_69 : vector<1x64xf32> to vector<1024x64xf32>
    %add3A_71 = arith.addf %dot_general3A_66, %add3A_70 : vector<1024x64xf32>
    %max3A_72 = arith.constant 0.000000e+00 : f32
    %max3A_73 = vector.broadcast %max3A_72 : f32 to vector<1024x64xf32>
    %max3A_74 = arith.maximumf %add3A_71, %max3A_73 : vector<1024x64xf32>
    %mul3A = arith.mulf %max3A_48, %max3A_74 : vector<1024x64xf32>
    %reduce_sum3A = arith.constant dense<0.000000e+00> : vector<1024xf32>
    %reduce_sum3A_75 = vector.multi_reduction <add>, %mul3A, %reduce_sum3A [1] : vector<1024x64xf32> to vector<1024xf32>
    %max3A_76 = arith.constant 0.000000e+00 : f32
    %max3A_77 = vector.broadcast %max3A_76 : f32 to vector<1024xf32>
    %max3A_78 = arith.maximumf %reduce_sum3A_75, %max3A_77 : vector<1024xf32>
    %reshape3A = vector.shape_cast %max3A_78 : vector<1024xf32> to vector<8x128xf32>
    %swap3A = arith.constant 0 : index
    %swap3A_79 = arith.constant 0 : index
    %swap3A_80 = vector.load %arg13[%swap3A, %swap3A_79] : memref<8x128xf32, #tpu.memory_space<vmem>>, vector<8x128xf32>
    tpu.vector_store %arg13[%swap3A, %swap3A_79], %reshape3A {strides = array<i32>} : memref<8x128xf32, #tpu.memory_space<vmem>>, vector<8x128xf32>,
    return
  }
  func.func @transform_0(%arg0: i32) -> (i32, i32) {
    %c0_i32 = arith.constant 0 : i32
    %c0_i32_0 = arith.constant 0 : i32
    return %arg0, %c0_i32 : i32, i32
  }
  func.func @transform_1(%arg0: i32) -> (i32, i32) {
    %c0_i32 = arith.constant 0 : i32
    %c0_i32_0 = arith.constant 0 : i32
    return %arg0, %c0_i32 : i32, i32
  }
  func.func @transform_2(%arg0: i32) -> (i32, i32) {
    %c0_i32 = arith.constant 0 : i32
    %c0_i32_0 = arith.constant 0 : i32
    return %arg0, %c0_i32 : i32, i32
  }
  func.func @transform_3(%arg0: i32) -> (i32, i32) {
    %c0_i32 = arith.constant 0 : i32
    %c0_i32_0 = arith.constant 0 : i32
    return %arg0, %c0_i32 : i32, i32
  }
  func.func @transform_4(%arg0: i32) -> (i32, i32) {
    %c0_i32 = arith.constant 0 : i32
    %c0_i32_0 = arith.constant 0 : i32
    %c0_i32_1 = arith.constant 0 : i32
    return %c0_i32, %c0_i32_0 : i32, i32
  }
  func.func @transform_5(%arg0: i32) -> (i32, i32) {
    %c0_i32 = arith.constant 0 : i32
    %c0_i32_0 = arith.constant 0 : i32
    %c0_i32_1 = arith.constant 0 : i32
    return %c0_i32, %c0_i32_0 : i32, i32
  }
  func.func @transform_6(%arg0: i32) -> (i32, i32) {
    %c0_i32 = arith.constant 0 : i32
    %c0_i32_0 = arith.constant 0 : i32
    %c0_i32_1 = arith.constant 0 : i32
    return %c0_i32, %c0_i32_0 : i32, i32
  }
  func.func @transform_7(%arg0: i32) -> (i32, i32) {
    %c0_i32 = arith.constant 0 : i32
    %c0_i32_0 = arith.constant 0 : i32
    %c0_i32_1 = arith.constant 0 : i32
    return %c0_i32, %c0_i32_0 : i32, i32
  }
  func.func @transform_8(%arg0: i32) -> (i32, i32) {
    %c0_i32 = arith.constant 0 : i32
    %c0_i32_0 = arith.constant 0 : i32
    %c0_i32_1 = arith.constant 0 : i32
    return %c0_i32, %c0_i32_0 : i32, i32
  }
  func.func @transform_9(%arg0: i32) -> (i32, i32) {
    %c0_i32 = arith.constant 0 : i32
    %c0_i32_0 = arith.constant 0 : i32
    %c0_i32_1 = arith.constant 0 : i32
    return %c0_i32, %c0_i32_0 : i32, i32
  }
  func.func @transform_10(%arg0: i32) -> (i32, i32) {
    %c0_i32 = arith.constant 0 : i32
    %c0_i32_0 = arith.constant 0 : i32
    %c0_i32_1 = arith.constant 0 : i32
    return %c0_i32, %c0_i32_0 : i32, i32
  }
  func.func @transform_11(%arg0: i32) -> (i32, i32) {
    %c0_i32 = arith.constant 0 : i32
    %c0_i32_0 = arith.constant 0 : i32
    %c0_i32_1 = arith.constant 0 : i32
    return %c0_i32, %c0_i32_0 : i32, i32
  }
  func.func @transform_12(%arg0: i32) -> (i32, i32) {
    %c0_i32 = arith.constant 0 : i32
    %c0_i32_0 = arith.constant 0 : i32
    return %arg0, %c0_i32 : i32, i32
  }
}

</mosaic_0001>

<sc_bundles>
// kernel: kernel.5.cloned.1.call-start
scs
__scs_entry_jumppad:
0x0: {  	(pc) =	sbr.rel $0x88, $3  }
0x1: {  	(tag) =	ssettag $0x0;
	lr =	simm.s32 $0x1  }
0x2: {  	[smem:$0x3F95] =	sst lr;
	_ =	strace $0xD0000000  }
0x3: {  	_ = 	snop  }
0x4: {  	_ = 	snop  }
0x5: {  	_ = 	snop  }
0x6: {  	_ = 	snop  }
0x7: {  	_ = 	snop  }
__scs_overlays_trampoline_lowered:
0x8: {  	[smem:$0x3FA4] =	sst s0  }
0x9: {  	[smem:$0x3FA5] =	sst s1  }
0xa: {  	[smem:$0x3FA6] =	sst s2  }
0xb: {  	[smem:$0x3FA7] =	sst s3  }
0xc: {  	[smem:$0x3FA8] =	sst s4  }
0xd: {  	[smem:$0x3FA9] =	sst s5  }
0xe: {  	[smem:$0x3FAA] =	sst s6  }
0xf: {  	[smem:$0x3FAB] =	sst s7  }
0x10: {  	[smem:$0x3FAC] =	sst s8  }
0x11: {  	[smem:$0x3FAD] =	sst s9;
	s0 =	simm.s32 @!p0 $0x0  }
0x12: {  	s1 =	sld [smem:$0x3F93];
	s0 =	simm.s32 @p0 $0x1  }
0x13: {  	[smem:$0x3FAE] =	sst s0;
	s0 =	simm.s32 @!p1 $0x0  }
0x14: {  	s2 =	sld [smem:$0x3F92];
	s0 =	simm.s32 @p1 $0x1  }
0x15: {  	[smem:$0x3FAF] =	sst s0;
	s0 =	simm.s32 @!p2 $0x0  }
0x16: {  	s3 =	sld [smem:$0x3FDB];
	s0 =	simm.s32 @p2 $0x1  }
0x17: {  	s4 =	simm.s32 $0x1BF5;
	[smem:$0x3FB1] =	sst s0  }
0x18: {  	s0 =	sld [smem:$0x3F94];
	_ =	swait.ge [sflag:s4], $0x0  }
0x19: {  	s7 =	sld [smem:$0x3F95]  }
0x1a: {  	s8 =	sadd.s32 $0xFFFFE003, lr  }
0x1b: {  	s9 =	sadd.s32 $0xFFFFFEF7, lr;
	s5 =	simm.s32 $0xFFFFFFFF;
	p2 =	slt.u32 s8, $0xFFFFF086  }
0x1c: {  	p1 =	slt.u32 s9, $0xF7A;
	s5 =	simm.s32 @!p2 $0x0  }
0x1d: {  	s5 =	simm.s32 @p1 $0x1;
	p0 =	seq.s32 s7, s2  }
0x1e: {  	s7 =	smul.u32 @!p0 $0xF7A, s2;
	p2 =	seq.s32 @!p0 s5, $0x0  }
0x1f: {  	s9 =	smul.u32 $0xF7A, s1;
	s8 =	simm.s32 @!p0 $0x1BF5;
	p2 =	por !p2, p0  }
0x20: {  	[sflag:s8] =	ssyncset.s32 @!p0 $0xFFFFF086;
	s6 =	sadd.s32 @!p0 s3, s7;
	s7 =	simm.s32 @!p0 $0x108  }
0x21: {  	s3 =	sadd.s32 s3, s9;
	s6 =	sadd.s32 @!p0 $0x88, s6;
	s7 =	simm.s32 @p2 $0x1082  }
0x22: {  	[simem:s7], [sflag:s8] =	dma.local @!p0 [hbm:s6], $0xF7A  }
0x23: {  	s9 =	sor.u32 $0xD0000000, s2;
	s6 =	simm.s32 $0x108;
	_ =	swait.ge @!p0 [sflag:s8], $0x0  }
0x24: {  	s3 =	sadd.s32 $0x88, s3;
	s6 =	simm.s32 @!p1 $0x1082;
	[sflag:s4] =	ssyncset.s32 $0xFFFFF086  }
0x25: {  	[simem:s6], [sflag:s4] =	dma.local [hbm:s3], $0xF7A  }
0x26: {  	[smem:$0x3F95] =	sst s1;
	(tag) =	ssettag s2;
	_ =	strace s9  }
0x27: {  	s1 =	sld [smem:$0x3FA5]  }
0x28: {  	s2 =	sld [smem:$0x3FA6]  }
0x29: {  	s4 =	sld [smem:$0x3FA8]  }
0x2a: {  	p0 =	seq.s32 s5, $0x0;
	s5 =	sld [smem:$0x3FA9]  }
0x2b: {  	s6 =	sld [smem:$0x3FAA]  }
0x2c: {  	s7 =	sld [smem:$0x3FAB]  }
0x2d: {  	s3 =	simm.s32 $0x108;
	s8 =	sld [smem:$0x3FAC]  }
0x2e: {  	s3 =	simm.s32 @!p0 $0x1082;
	s9 =	sld [smem:$0x3FAD]  }
0x2f: {  	lr =	sadd.s32 s0, s3;
	s0 =	sld [smem:$0x3FA4]  }
0x30: {  	s3 =	sld [smem:$0x3FA7]  }
0x31: {  	[smem:$0x3FB0] =	sst s10  }
0x32: {  	s10 =	sld [smem:$0x3FAE];
	_ =	sdelay $0x3  }
0x33: {  	p0 =	seq.s32 s10, $0x1;
	s10 =	sld [smem:$0x3FB0];
	_ =	sdelay $0x3  }
0x34: {  	[smem:$0x3FB0] =	sst s10  }
0x35: {  	s10 =	sld [smem:$0x3FAF];
	_ =	sdelay $0x3  }
0x36: {  	p1 =	seq.s32 s10, $0x1;
	s10 =	sld [smem:$0x3FB0];
	_ =	sdelay $0x3  }
0x37: {  	[smem:$0x3FB0] =	sst s10  }
0x38: {  	s10 =	sld [smem:$0x3FB1]  }
0x39: {  	_ = 	snop;
	(pc) =	sbr.ind lr, $3  }
0x3a: {  	_ = 	snop  }
0x3b: {  	_ = 	snop  }
0x3c: {  	p2 =	seq.s32 s10, $0x1;
	s10 =	sld [smem:$0x3FB0]  }
0x3d: {  	_ =	shalt  }
0x3e: {  	_ =	shalt  }
0x3f: {  	_ =	shalt  }
0x40: {  	_ =	shalt  }
0x41: {  	_ =	shalt  }
0x42: {  	_ =	shalt  }
0x43: {  	_ =	shalt  }
0x44: {  	_ =	shalt  }
0x45: {  	_ =	shalt  }
0x46: {  	_ =	shalt  }
0x47: {  	_ =	shalt  }
0x48: {  	_ =	shalt  }
0x49: {  	_ =	shalt  }
0x4a: {  	_ =	shalt  }
0x4b: {  	_ =	shalt  }
0x4c: {  	_ =	shalt  }
0x4d: {  	_ =	shalt  }
0x4e: {  	_ =	shalt  }
0x4f: {  	_ =	shalt  }
0x50: {  	_ =	shalt  }
0x51: {  	_ =	shalt  }
0x52: {  	_ =	shalt  }
0x53: {  	_ =	shalt  }
0x54: {  	_ =	shalt  }
0x55: {  	_ =	shalt  }
0x56: {  	_ =	shalt  }
0x57: {  	_ =	shalt  }
0x58: {  	_ =	shalt  }
0x59: {  	_ =	shalt  }
0x5a: {  	_ =	shalt  }
0x5b: {  	_ =	shalt  }
0x5c: {  	_ =	shalt  }
0x5d: {  	_ =	shalt  }
0x5e: {  	_ =	shalt  }
0x5f: {  	_ =	shalt  }
0x60: {  	_ =	shalt  }
0x61: {  	_ =	shalt  }
0x62: {  	_ =	shalt  }
0x63: {  	_ =	shalt  }
0x64: {  	_ =	shalt  }
0x65: {  	_ =	shalt  }
0x66: {  	_ =	shalt  }
0x67: {  	_ =	shalt  }
0x68: {  	_ =	shalt  }
0x69: {  	_ =	shalt  }
0x6a: {  	_ =	shalt  }
0x6b: {  	_ =	shalt  }
0x6c: {  	_ =	shalt  }
0x6d: {  	_ =	shalt  }
0x6e: {  	_ =	shalt  }
0x6f: {  	_ =	shalt  }
0x70: {  	_ =	shalt  }
0x71: {  	_ =	shalt  }
0x72: {  	_ =	shalt  }
0x73: {  	_ =	shalt  }
0x74: {  	_ =	shalt  }
0x75: {  	_ =	shalt  }
0x76: {  	_ =	shalt  }
0x77: {  	_ =	shalt  }
0x78: {  	_ =	shalt  }
0x79: {  	_ =	shalt  }
0x7a: {  	_ =	shalt  }
0x7b: {  	_ =	shalt  }
0x7c: {  	_ =	shalt  }
0x7d: {  	_ =	shalt  }
0x7e: {  	_ =	shalt  }
0x7f: {  	_ =	shalt  }
0x80: {  	_ =	shalt  }
0x81: {  	_ =	shalt  }
0x82: {  	_ =	shalt  }
0x83: {  	_ =	shalt  }
0x84: {  	_ =	shalt  }
0x85: {  	_ =	shalt  }
0x86: {  	_ =	shalt  }
0x87: {  	_ =	shalt  }
.Lfunc_end0:
.L_simem_size_0:
called_computation_lowered:
.L_overlay_start_0:
0x88: {  	s2 =	sld [smem:$0x3FD9]  }
0x89: {  	s3 =	sld [smem:$0x3FFE];
	_ =	sdelay $0x1  }
0x8a: {  	s1 =	srdreg.scid  }
0x8b: {  	s0 =	sand.u32 $0x1, s1  }
0x8c: {  	s17 =	sshll.u32 s0, $0xA;
	s2 =	sadd.s32 s3, s2  }
0x8d: {  	s2 =	sadd.s32 s2, s17  }
0x8e: {  	[smem:$0x3FBC] =	sst s2  }
0x8f: {  	_ = 	snop  }
0x90: {  	s2 =	sld [smem:$0x3FC9]  }
0x91: {  	s18 =	sld [smem:$0x3FC8];
	(tm) =	ssettm $0x1  }
0x92: {  	s4 =	sld [smem:$0x3FFB];
	_ =	sdelay $0x3  }
0x93: {  	_ =	strace s4  }
0x94: {  	s4 =	sld [smem:$0x3FFC];
	_ =	sdelay $0x3  }
0x95: {  	_ =	strace s4  }
0x96: {  	s4 =	sld [smem:$0x3FFD];
	_ =	sdelay $0x3  }
0x97: {  	_ =	strace s4  }
0x98: {  	_ =	strace $0x8FFFFFFF  }
0x99: {  	s19 =	sld [smem:$0x3FDB];
	_ =	sdelay $0x1  }
0x9a: {  	s5 =	simm.s32 $_scs_section_size  }
0x9b: {  	s6 =	simm.s32 $_size__tile_overlayer_lowered;
	s7 =	simm.s32 $_tile_overlayer_lowered  }
0x9c: {  	s22 =	simm.s32 $0x1BFF;
	s21 =	sshll.u32 s7, $0x1;
	s4 =	sadd.s32 s5, s19  }
0x9d: {  	s8 =	simm.s32 $0x0;
	s20 =	sshll.u32 s6, $0x1;
	s6 =	sadd.s32 s21, s4  }
0x9e: {  	[timem:s8], [sflag:s22] =	dma.local [hbm:s6], s20  }
0x9f: {  	_ =	swait.ge [sflag:s22], s20  }
0xa0: {  	s5 =	ssub.s32 $0x0, s20;
	[sflag:s22] =	ssyncset.done $0x0  }
0xa1: {  	[sflag:s22] =	ssyncadd.s32 s5;
	_ =	sdelay $0x1  }
0xa2: {  	s23 =	simm.s32 $0x1B8B  }
0xa3: {  	_ =	swait.ge [sflag:s23], $0x1  }
0xa4: {  	[sflag:s23] =	ssyncset.done $0x0  }
0xa5: {  	s25 =	simm.s32 $0x1B8E;
	s24 =	sld [smem:$0x3FFE];
	[sflag:s23] =	ssyncadd.s32 $0xFFFFFFFF  }
0xa6: {  	s26 =	simm.s32 $execute0_lowered;
	[smem:$0x3FD2] =	sst s25  }
0xa7: {  	s6 =	sshll.u32 s26, $0x1;
	_ =	strace $0x80000046;
	[dreg:$0x1] =	wrdreg $0xFFFFFFFF  }
0xa8: {  	s28 =	simm.s32 $_size_execute0_lowered;
	s4 =	sadd.s32 s4, s6;
	[dreg:$0x0] =	wrdreg $0x0  }
0xa9: {  	s6 =	sshll.u32 s28, $0x1;
	[dreg:$0x2] =	wrdreg s4  }
0xaa: {  	[dreg:$0x3] =	wrdreg s6  }
0xab: {  	[dreg:$0x4] =	wrdreg $0xC0  }
0xac: {  	_ =	task [dreg:s8], $0x5FFFF  }
0xad: {  	[dreg:$0x1] =	wrdreg $0xFFFFFFFF  }
0xae: {  	[dreg:$0x0] =	wrdreg $0x60  }
0xaf: {  	[dreg:$0x2] =	wrdreg s2  }
0xb0: {  	[dreg:$0x3] =	wrdreg s18  }
0xb1: {  	[dreg:$0x4] =	wrdreg s24  }
0xb2: {  	[dreg:$0x5] =	wrdreg $0x9  }
0xb3: {  	_ =	task.clear_ibuf [dreg:s8], $0x6FFFF;
	_ =	strace $0x90000046  }
0xb4: {  	s29 =	simm.s32 $0x9;
	_ =	strace $0x80000048  }
0xb5: {  	_ =	swait.ge [sflag:s29], $0x1  }
0xb6: {  	[sflag:s29] =	ssyncadd.s32 $0xFFFFFFFF  }
0xb7: {  	_ =	strace $0x90000048  }
0xb8: {  	_ =	sfence  }
0xb9: {  	s30 =	sld [smem:$0x0];
	_ =	sdelay $0x2  }
0xba: {  	s31 =	sshll.u32 s1, $0xD;
	s1 =	sshrl.u32 s1, $0x2  }
0xbb: {  	s3 =	sand.u32 $0x4000, s31;
	s1 =	sadd.s32 s1, s30  }
0xbc: {  	s0 =	sor.u32 s3, s0;
	s1 =	sshll.u32 s1, $0x11  }
0xbd: {  	s0 =	sor.u32 s1, s0  }
0xbe: {  	s0 =	sadd.s32 $0x8F2B, s0  }
0xbf: {  	[sflag:s0] =	ssyncadd.remote.s32 $0x1  }
0xc0: {  	_ =	sfence.sel $0xFFFF  }
0xc1: {  	[dreg:$0x0] =	wrdreg $0xFFFFFFFF;
	(pc) =	sbr.abs _section_cstart, $3  }
0xc2: {  	[dreg:$0x1] =	wrdreg $0xFFFFFFFF  }
0xc3: {  	_ =	task.clear_ibuf [dreg:s8], $0x2FFFF;
	_ =	strace $0x9FFFFFFF  }
0xc4: {  	(tm) =	ssettm $0x7FFFFFFF  }
0xc5: {  	_ =	shalt  }
tec
execute0_lowered:
.L_overlay_start_1:
0x0: {  	(tag) =	ssettag $0x1  }
0x1: {  	s9 =	rddreg [dreg:$0x0]  }
0x2: {  	s10 =	rddreg [dreg:$0x1]  }
0x3: {  	s5 =	rddreg [dreg:$0x2]  }
0x4: {  	s0 =	rddreg [dreg:$0x3];
	s1 =	simm.s32 $0x0;
	s6 =	srdreg.scid  }
0x5: {  	s2 =	stileid.u32;
	s16 =	simm.s32 $0x200;
	s17 =	simm.s32 $0x8200  }
0x6: {  	s18 =	simm.s32 $0x1;
	s19 =	simm.s32 $0x2;
	s20 =	simm.s32 $0x3  }
0x7: {  	s21 =	simm.s32 $0x4;
	[smem:$0x7FF] =	sst s1;
	s3 =	sadd.s32 $0x2200, s5  }
0x8: {  	s4 =	sadd.s32 $0xC6200, s5;
	s6 =	sand.u32 $0x1, s6;
	s8 =	sshll.u32 s2, $0xA  }
0x9: {  	s11 =	sadd.s32 $0x18A200, s5;
	s7 =	ssub.s32 $0x2, s6;
	s6 =	sshll.u32 s6, $0x9  }
0xa: {  	s13 =	sadd.s32 $0x1CA200, s5;
	s12 =	sshrl.u32 s7, $0x1;
	s6 =	sor.u32 s6, s8  }
0xb: {  	_ =	strace $0x80000047;
	s14 =	ssub.s32 s7, s12;
	s30 =	sshrl.u32 s6, $0x3  }
0xc: {  	s8 =	sshll.u32 s6, $0x4;
	s31 =	sor.u32 $0x100, s6;
	s5 =	sadd.s32 s9, s30  }
0xd: {  	s6 =	sadd.s32 s10, s30;
	s7 =	sadd.s32 s11, s8;
	s15 =	sshrl.u32 s31, $0x3  }
0xe: {  	s8 =	sadd.s32 s13, s8;
	s12 =	sshll.u32 s31, $0x4;
	s9 =	sadd.s32 s9, s15  }
0xf: {  	s10 =	sadd.s32 s10, s15;
	s11 =	sadd.s32 s11, s12;
	s12 =	sadd.s32 s13, s12  }
0x10: {  	s13 =	smax.u32 s14, $0x1;
	s14 =	simm.s32 $0x5;
	s15 =	simm.s32 $0x100  }
.LBB2_1:
0x11: {  	[tilespmem:s1], [sflag:$0x5] =	stream.linear.gather [hbm4b:s5+s1], $0x100, $0x38;
	[tilespmem:$0x10200] =	vst v63  }
0x12: {  	_ =	swait.ge [sflag:s14], $0x100  }
0x13: {  	[sflag:s14] =	ssyncset.done $0x0  }
0x14: {  	[sflag:s14] =	ssyncadd.s32 $0xFFFFFF00  }
0x15: {  	v0 =	vld [tilespmem:$0x0]  }
0x16: {  	v1 =	vld [tilespmem:$0x10]  }
0x17: {  	v2 =	vld [tilespmem:$0x20]  }
0x18: {  	v3 =	vld [tilespmem:$0x30]  }
0x19: {  	v4 =	vld [tilespmem:$0x40]  }
0x1a: {  	v6 =	vld [tilespmem:$0x50];
	vm0 =	vlt.s32 v0, $0xC400;
	v5 =	vadd.s32 $0xFFFF3C00, v0  }
0x1b: {  	v7 =	vld [tilespmem:$0x60];
	vm13 =	vlt.s32 v1, $0xC400;
	v53 =	vadd.s32 $0xFFFF3C00, v1;
	v0 =	vsel vm0, v0, v5  }
0x1c: {  	v56 =	vld [tilespmem:$0x70];
	vm14 =	vlt.s32 v2, $0xC400;
	v55 =	vadd.s32 $0xFFFF3C00, v2;
	v54 =	vsel vm13, v1, v53;
	[tilespmem:$0x0] =	vst v0  }
0x1d: {  	v59 =	vld [tilespmem:$0x80];
	vm15 =	vlt.s32 v3, $0xC400;
	v58 =	vadd.s32 $0xFFFF3C00, v3;
	v57 =	vsel vm14, v2, v55;
	[tilespmem:$0x10] =	vst v54  }
0x1e: {  	v62 =	vld [tilespmem:$0x90];
	vm4 =	vlt.s32 v4, $0xC400;
	v61 =	vadd.s32 $0xFFFF3C00, v4;
	v60 =	vsel vm15, v3, v58;
	[tilespmem:$0x20] =	vst v57  }
0x1f: {  	v9 =	vld [tilespmem:$0xA0];
	vm5 =	vlt.s32 v6, $0xC400;
	v8 =	vadd.s32 $0xFFFF3C00, v6;
	v63 =	vsel vm4, v4, v61;
	[tilespmem:$0x30] =	vst v60  }
0x20: {  	v12 =	vld [tilespmem:$0xB0];
	vm6 =	vlt.s32 v7, $0xC400;
	v11 =	vadd.s32 $0xFFFF3C00, v7;
	v10 =	vsel vm5, v6, v8;
	[tilespmem:$0x40] =	vst v63  }
0x21: {  	v15 =	vld [tilespmem:$0xC0];
	vm7 =	vlt.s32 v56, $0xC400;
	v14 =	vadd.s32 $0xFFFF3C00, v56;
	v13 =	vsel vm6, v7, v11;
	[tilespmem:$0x50] =	vst v10  }
0x22: {  	v18 =	vld [tilespmem:$0xD0];
	vm8 =	vlt.s32 v59, $0xC400;
	v17 =	vadd.s32 $0xFFFF3C00, v59;
	v16 =	vsel vm7, v56, v14;
	[tilespmem:$0x60] =	vst v13  }
0x23: {  	v21 =	vld [tilespmem:$0xE0];
	vm9 =	vlt.s32 v62, $0xC400;
	v20 =	vadd.s32 $0xFFFF3C00, v62;
	v19 =	vsel vm8, v59, v17;
	[tilespmem:$0x70] =	vst v16  }
0x24: {  	v24 =	vld [tilespmem:$0xF0];
	vm10 =	vlt.s32 v9, $0xC400;
	v23 =	vadd.s32 $0xFFFF3C00, v9;
	v22 =	vsel vm9, v62, v20;
	[tilespmem:$0x80] =	vst v19  }
0x25: {  	vm11 =	vlt.s32 v12, $0xC400;
	v26 =	vadd.s32 $0xFFFF3C00, v12;
	v25 =	vsel vm10, v9, v23;
	[tilespmem:$0x90] =	vst v22  }
0x26: {  	vm12 =	vlt.s32 v15, $0xC400;
	v28 =	vadd.s32 $0xFFFF3C00, v15;
	v27 =	vsel vm11, v12, v26;
	[tilespmem:$0xA0] =	vst v25  }
0x27: {  	v30 =	vadd.s32 $0xFFFF3C00, v18;
	v29 =	vsel vm12, v15, v28;
	vm13 =	vlt.s32 v18, $0xC400;
	[tilespmem:$0xB0] =	vst v27  }
0x28: {  	v32 =	vadd.s32 $0xFFFF3C00, v21;
	vm14 =	vlt.s32 v21, $0xC400;
	[tilespmem:$0xC0] =	vst v29;
	v31 =	vsel vm13, v18, v30  }
0x29: {  	v34 =	vadd.s32 $0xFFFF3C00, v24;
	vm15 =	vlt.s32 v24, $0xC400;
	v33 =	vsel vm14, v21, v32;
	[tilespmem:$0xD0] =	vst v31  }
0x2a: {  	v35 =	vsel vm15, v24, v34;
	[tilespmem:$0xE0] =	vst v33  }
0x2b: {  	[tilespmem:$0xF0] =	vst v35  }
0x2c: {  	[tilespmem:s16], [sflag:$0x1] =	stream.indirect.gather [hbm4b:s3+s15], $0x80, s1, s15, $0xb8;
	[tilespmem:$0x10200] =	vst v63  }
0x2d: {  	_ = 	snop  }
0x2e: {  	[tilespmem:s15], [sflag:$0x5] =	stream.linear.gather [hbm4b:s6+s1], $0x100, $0x38;
	[tilespmem:$0x10200] =	vst v63  }
0x2f: {  	_ =	swait.ge [sflag:s14], $0x100  }
0x30: {  	[sflag:s14] =	ssyncset.done $0x0  }
0x31: {  	[sflag:s14] =	ssyncadd.s32 $0xFFFFFF00  }
0x32: {  	v36 =	vld [tilespmem:$0x100]  }
0x33: {  	v37 =	vld [tilespmem:$0x110]  }
0x34: {  	v38 =	vld [tilespmem:$0x120]  }
0x35: {  	v39 =	vld [tilespmem:$0x130]  }
0x36: {  	v40 =	vld [tilespmem:$0x140]  }
0x37: {  	v42 =	vld [tilespmem:$0x150];
	vm4 =	vlt.s32 v36, $0xC400;
	v41 =	vadd.s32 $0xFFFF3C00, v36  }
0x38: {  	v44 =	vld [tilespmem:$0x160];
	vm5 =	vlt.s32 v37, $0xC400;
	v43 =	vadd.s32 $0xFFFF3C00, v37;
	v0 =	vsel vm4, v36, v41  }
0x39: {  	v47 =	vld [tilespmem:$0x170];
	vm6 =	vlt.s32 v38, $0xC400;
	v46 =	vadd.s32 $0xFFFF3C00, v38;
	v45 =	vsel vm5, v37, v43;
	[tilespmem:$0x100] =	vst v0  }
0x3a: {  	v50 =	vld [tilespmem:$0x180];
	vm7 =	vlt.s32 v39, $0xC400;
	v49 =	vadd.s32 $0xFFFF3C00, v39;
	v48 =	vsel vm6, v38, v46;
	[tilespmem:$0x110] =	vst v45  }
0x3b: {  	v53 =	vld [tilespmem:$0x190];
	vm8 =	vlt.s32 v40, $0xC400;
	v52 =	vadd.s32 $0xFFFF3C00, v40;
	v51 =	vsel vm7, v39, v49;
	[tilespmem:$0x120] =	vst v48  }
0x3c: {  	v56 =	vld [tilespmem:$0x1A0];
	vm9 =	vlt.s32 v42, $0xC400;
	v55 =	vadd.s32 $0xFFFF3C00, v42;
	v54 =	vsel vm8, v40, v52;
	[tilespmem:$0x130] =	vst v51  }
0x3d: {  	v59 =	vld [tilespmem:$0x1B0];
	vm10 =	vlt.s32 v44, $0xC400;
	v58 =	vadd.s32 $0xFFFF3C00, v44;
	v57 =	vsel vm9, v42, v55;
	[tilespmem:$0x140] =	vst v54  }
0x3e: {  	v62 =	vld [tilespmem:$0x1C0];
	vm11 =	vlt.s32 v47, $0xC400;
	v61 =	vadd.s32 $0xFFFF3C00, v47;
	v60 =	vsel vm10, v44, v58;
	[tilespmem:$0x150] =	vst v57  }
0x3f: {  	v9 =	vld [tilespmem:$0x1D0];
	vm12 =	vlt.s32 v50, $0xC400;
	v8 =	vadd.s32 $0xFFFF3C00, v50;
	v63 =	vsel vm11, v47, v61;
	[tilespmem:$0x160] =	vst v60  }
0x40: {  	v12 =	vld [tilespmem:$0x1E0];
	vm13 =	vlt.s32 v53, $0xC400;
	v11 =	vadd.s32 $0xFFFF3C00, v53;
	v10 =	vsel vm12, v50, v8;
	[tilespmem:$0x170] =	vst v63  }
0x41: {  	v15 =	vld [tilespmem:$0x1F0];
	vm14 =	vlt.s32 v56, $0xC400;
	v14 =	vadd.s32 $0xFFFF3C00, v56;
	v13 =	vsel vm13, v53, v11;
	[tilespmem:$0x180] =	vst v10  }
0x42: {  	vm15 =	vlt.s32 v59, $0xC400;
	v17 =	vadd.s32 $0xFFFF3C00, v59;
	v16 =	vsel vm14, v56, v14;
	[tilespmem:$0x190] =	vst v13  }
0x43: {  	v19 =	vadd.s32 $0xFFFF3C00, v62;
	v18 =	vsel vm15, v59, v17;
	vm4 =	vlt.s32 v62, $0xC400;
	[tilespmem:$0x1A0] =	vst v16  }
0x44: {  	v21 =	vadd.s32 $0xFFFF3C00, v9;
	vm5 =	vlt.s32 v9, $0xC400;
	[tilespmem:$0x1B0] =	vst v18;
	v20 =	vsel vm4, v62, v19  }
0x45: {  	v23 =	vadd.s32 $0xFFFF3C00, v12;
	vm6 =	vlt.s32 v12, $0xC400;
	v22 =	vsel vm5, v9, v21;
	[tilespmem:$0x1C0] =	vst v20  }
0x46: {  	v25 =	vadd.s32 $0xFFFF3C00, v15;
	vm7 =	vlt.s32 v15, $0xC400;
	v24 =	vsel vm6, v12, v23;
	[tilespmem:$0x1D0] =	vst v22  }
0x47: {  	v26 =	vsel vm7, v15, v25;
	[tilespmem:$0x1E0] =	vst v24  }
0x48: {  	[tilespmem:$0x1F0] =	vst v26  }
0x49: {  	[tilespmem:s17], [sflag:$0x2] =	stream.indirect.gather [hbm4b:s4+s15], $0x80, s15, s15, $0xb8;
	[tilespmem:$0x10200] =	vst v63  }
0x4a: {  	_ =	swait.ge [sflag:s18], $0x8000  }
0x4b: {  	[sflag:s18] =	ssyncset.done $0x0  }
0x4c: {  	[sflag:s18] =	ssyncadd.s32 $0xFFFF8000  }
0x4d: {  	[hbm4b:s7+s1] =	stream.linear.scatter [tilespmem:s16], [sflag:$0x3], $0x8000, $0x38;
	[tilespmem:$0x10200] =	vst v63  }
0x4e: {  	_ =	swait.ge [sflag:s19], $0x8000  }
0x4f: {  	[sflag:s19] =	ssyncset.done $0x0  }
0x50: {  	[sflag:s19] =	ssyncadd.s32 $0xFFFF8000  }
0x51: {  	[hbm4b:s8+s1] =	stream.linear.scatter [tilespmem:s17], [sflag:$0x4], $0x8000, $0x38;
	[tilespmem:$0x10200] =	vst v63  }
0x52: {  	_ =	swait.ge [sflag:s20], $0x8000  }
0x53: {  	[sflag:s20] =	ssyncset.done $0x0  }
0x54: {  	[sflag:s20] =	ssyncadd.s32 $0xFFFF8000  }
0x55: {  	_ =	swait.ge [sflag:s21], $0x8000  }
0x56: {  	[sflag:s21] =	ssyncset.done $0x0  }
0x57: {  	[sflag:s21] =	ssyncadd.s32 $0xFFFF8000  }
0x58: {  	[tilespmem:s1], [sflag:$0x5] =	stream.linear.gather [hbm4b:s9+s1], $0x100, $0x38;
	[tilespmem:$0x10200] =	vst v63  }
0x59: {  	_ =	swait.ge [sflag:s14], $0x100  }
0x5a: {  	[sflag:s14] =	ssyncset.done $0x0  }
0x5b: {  	[sflag:s14] =	ssyncadd.s32 $0xFFFFFF00  }
0x5c: {  	v27 =	vld [tilespmem:$0x0]  }
0x5d: {  	v28 =	vld [tilespmem:$0x10]  }
0x5e: {  	v29 =	vld [tilespmem:$0x20]  }
0x5f: {  	v30 =	vld [tilespmem:$0x30]  }
0x60: {  	v31 =	vld [tilespmem:$0x40]  }
0x61: {  	v33 =	vld [tilespmem:$0x50];
	vm8 =	vlt.s32 v27, $0xC400;
	v32 =	vadd.s32 $0xFFFF3C00, v27  }
0x62: {  	v35 =	vld [tilespmem:$0x60];
	vm9 =	vlt.s32 v28, $0xC400;
	v34 =	vadd.s32 $0xFFFF3C00, v28;
	v0 =	vsel vm8, v27, v32  }
0x63: {  	v38 =	vld [tilespmem:$0x70];
	vm10 =	vlt.s32 v29, $0xC400;
	v37 =	vadd.s32 $0xFFFF3C00, v29;
	v36 =	vsel vm9, v28, v34;
	[tilespmem:$0x0] =	vst v0  }
0x64: {  	v41 =	vld [tilespmem:$0x80];
	vm11 =	vlt.s32 v30, $0xC400;
	v40 =	vadd.s32 $0xFFFF3C00, v30;
	v39 =	vsel vm10, v29, v37;
	[tilespmem:$0x10] =	vst v36  }
0x65: {  	v44 =	vld [tilespmem:$0x90];
	vm12 =	vlt.s32 v31, $0xC400;
	v43 =	vadd.s32 $0xFFFF3C00, v31;
	v42 =	vsel vm11, v30, v40;
	[tilespmem:$0x20] =	vst v39  }
0x66: {  	v47 =	vld [tilespmem:$0xA0];
	vm13 =	vlt.s32 v33, $0xC400;
	v46 =	vadd.s32 $0xFFFF3C00, v33;
	v45 =	vsel vm12, v31, v43;
	[tilespmem:$0x30] =	vst v42  }
0x67: {  	v50 =	vld [tilespmem:$0xB0];
	vm14 =	vlt.s32 v35, $0xC400;
	v49 =	vadd.s32 $0xFFFF3C00, v35;
	v48 =	vsel vm13, v33, v46;
	[tilespmem:$0x40] =	vst v45  }
0x68: {  	v53 =	vld [tilespmem:$0xC0];
	vm15 =	vlt.s32 v38, $0xC400;
	v52 =	vadd.s32 $0xFFFF3C00, v38;
	v51 =	vsel vm14, v35, v49;
	[tilespmem:$0x50] =	vst v48  }
0x69: {  	v56 =	vld [tilespmem:$0xD0];
	vm4 =	vlt.s32 v41, $0xC400;
	v55 =	vadd.s32 $0xFFFF3C00, v41;
	v54 =	vsel vm15, v38, v52;
	[tilespmem:$0x60] =	vst v51  }
0x6a: {  	v59 =	vld [tilespmem:$0xE0];
	vm5 =	vlt.s32 v44, $0xC400;
	v58 =	vadd.s32 $0xFFFF3C00, v44;
	v57 =	vsel vm4, v41, v55;
	[tilespmem:$0x70] =	vst v54  }
0x6b: {  	v62 =	vld [tilespmem:$0xF0];
	vm6 =	vlt.s32 v47, $0xC400;
	v61 =	vadd.s32 $0xFFFF3C00, v47;
	v60 =	vsel vm5, v44, v58;
	[tilespmem:$0x80] =	vst v57  }
0x6c: {  	vm7 =	vlt.s32 v50, $0xC400;
	v4 =	vadd.s32 $0xFFFF3C00, v50;
	v63 =	vsel vm6, v47, v61;
	[tilespmem:$0x90] =	vst v60  }
0x6d: {  	v9 =	vadd.s32 $0xFFFF3C00, v53;
	v8 =	vsel vm7, v50, v4;
	vm8 =	vlt.s32 v53, $0xC400;
	[tilespmem:$0xA0] =	vst v63  }
0x6e: {  	v11 =	vadd.s32 $0xFFFF3C00, v56;
	vm9 =	vlt.s32 v56, $0xC400;
	[tilespmem:$0xB0] =	vst v8;
	v10 =	vsel vm8, v53, v9  }
0x6f: {  	v13 =	vadd.s32 $0xFFFF3C00, v59;
	vm10 =	vlt.s32 v59, $0xC400;
	v12 =	vsel vm9, v56, v11;
	[tilespmem:$0xC0] =	vst v10  }
0x70: {  	v15 =	vadd.s32 $0xFFFF3C00, v62;
	vm11 =	vlt.s32 v62, $0xC400;
	v14 =	vsel vm10, v59, v13;
	[tilespmem:$0xD0] =	vst v12  }
0x71: {  	v16 =	vsel vm11, v62, v15;
	[tilespmem:$0xE0] =	vst v14  }
0x72: {  	[tilespmem:$0xF0] =	vst v16  }
0x73: {  	[tilespmem:s16], [sflag:$0x1] =	stream.indirect.gather [hbm4b:s3+s15], $0x80, s1, s15, $0xb8;
	[tilespmem:$0x10200] =	vst v63  }
0x74: {  	_ = 	snop  }
0x75: {  	[tilespmem:s15], [sflag:$0x5] =	stream.linear.gather [hbm4b:s10+s1], $0x100, $0x38;
	[tilespmem:$0x10200] =	vst v63  }
0x76: {  	_ =	swait.ge [sflag:s14], $0x100  }
0x77: {  	[sflag:s14] =	ssyncset.done $0x0  }
0x78: {  	[sflag:s14] =	ssyncadd.s32 $0xFFFFFF00  }
0x79: {  	v17 =	vld [tilespmem:$0x100]  }
0x7a: {  	v18 =	vld [tilespmem:$0x110]  }
0x7b: {  	v19 =	vld [tilespmem:$0x120]  }
0x7c: {  	v20 =	vld [tilespmem:$0x130]  }
0x7d: {  	v21 =	vld [tilespmem:$0x140]  }
0x7e: {  	v23 =	vld [tilespmem:$0x150];
	vm12 =	vlt.s32 v17, $0xC400;
	v22 =	vadd.s32 $0xFFFF3C00, v17  }
0x7f: {  	v25 =	vld [tilespmem:$0x160];
	vm13 =	vlt.s32 v18, $0xC400;
	v24 =	vadd.s32 $0xFFFF3C00, v18;
	v0 =	vsel vm12, v17, v22  }
0x80: {  	v28 =	vld [tilespmem:$0x170];
	vm14 =	vlt.s32 v19, $0xC400;
	v27 =	vadd.s32 $0xFFFF3C00, v19;
	v26 =	vsel vm13, v18, v24;
	[tilespmem:$0x100] =	vst v0  }
0x81: {  	v31 =	vld [tilespmem:$0x180];
	vm15 =	vlt.s32 v20, $0xC400;
	v30 =	vadd.s32 $0xFFFF3C00, v20;
	v29 =	vsel vm14, v19, v27;
	[tilespmem:$0x110] =	vst v26  }
0x82: {  	v34 =	vld [tilespmem:$0x190];
	vm4 =	vlt.s32 v21, $0xC400;
	v33 =	vadd.s32 $0xFFFF3C00, v21;
	v32 =	vsel vm15, v20, v30;
	[tilespmem:$0x120] =	vst v29  }
0x83: {  	v37 =	vld [tilespmem:$0x1A0];
	vm5 =	vlt.s32 v23, $0xC400;
	v36 =	vadd.s32 $0xFFFF3C00, v23;
	v35 =	vsel vm4, v21, v33;
	[tilespmem:$0x130] =	vst v32  }
0x84: {  	v40 =	vld [tilespmem:$0x1B0];
	vm6 =	vlt.s32 v25, $0xC400;
	v39 =	vadd.s32 $0xFFFF3C00, v25;
	v38 =	vsel vm5, v23, v36;
	[tilespmem:$0x140] =	vst v35  }
0x85: {  	v43 =	vld [tilespmem:$0x1C0];
	vm7 =	vlt.s32 v28, $0xC400;
	v42 =	vadd.s32 $0xFFFF3C00, v28;
	v41 =	vsel vm6, v25, v39;
	[tilespmem:$0x150] =	vst v38  }
0x86: {  	v46 =	vld [tilespmem:$0x1D0];
	vm8 =	vlt.s32 v31, $0xC400;
	v45 =	vadd.s32 $0xFFFF3C00, v31;
	v44 =	vsel vm7, v28, v42;
	[tilespmem:$0x160] =	vst v41  }
0x87: {  	v49 =	vld [tilespmem:$0x1E0];
	vm9 =	vlt.s32 v34, $0xC400;
	v48 =	vadd.s32 $0xFFFF3C00, v34;
	v47 =	vsel vm8, v31, v45;
	[tilespmem:$0x170] =	vst v44  }
0x88: {  	v52 =	vld [tilespmem:$0x1F0];
	vm10 =	vlt.s32 v37, $0xC400;
	v51 =	vadd.s32 $0xFFFF3C00, v37;
	v50 =	vsel vm9, v34, v48;
	[tilespmem:$0x180] =	vst v47  }
0x89: {  	vm11 =	vlt.s32 v40, $0xC400;
	v54 =	vadd.s32 $0xFFFF3C00, v40;
	v53 =	vsel vm10, v37, v51;
	[tilespmem:$0x190] =	vst v50  }
0x8a: {  	v56 =	vadd.s32 $0xFFFF3C00, v43;
	v55 =	vsel vm11, v40, v54;
	vm12 =	vlt.s32 v43, $0xC400;
	[tilespmem:$0x1A0] =	vst v53  }
0x8b: {  	v58 =	vadd.s32 $0xFFFF3C00, v46;
	vm13 =	vlt.s32 v46, $0xC400;
	[tilespmem:$0x1B0] =	vst v55;
	v57 =	vsel vm12, v43, v56  }
0x8c: {  	v60 =	vadd.s32 $0xFFFF3C00, v49;
	vm14 =	vlt.s32 v49, $0xC400;
	v59 =	vsel vm13, v46, v58;
	[tilespmem:$0x1C0] =	vst v57  }
0x8d: {  	v62 =	vadd.s32 $0xFFFF3C00, v52;
	vm15 =	vlt.s32 v52, $0xC400;
	v61 =	vsel vm14, v49, v60;
	[tilespmem:$0x1D0] =	vst v59  }
0x8e: {  	v63 =	vsel vm15, v52, v62;
	[tilespmem:$0x1E0] =	vst v61  }
0x8f: {  	[tilespmem:$0x1F0] =	vst v63  }
0x90: {  	[tilespmem:s17], [sflag:$0x2] =	stream.indirect.gather [hbm4b:s4+s15], $0x80, s15, s15, $0xb8;
	[tilespmem:$0x10200] =	vst v63  }
0x91: {  	_ =	swait.ge [sflag:s18], $0x8000  }
0x92: {  	[sflag:s18] =	ssyncset.done $0x0  }
0x93: {  	[sflag:s18] =	ssyncadd.s32 $0xFFFF8000  }
0x94: {  	[hbm4b:s11+s1] =	stream.linear.scatter [tilespmem:s16], [sflag:$0x3], $0x8000, $0x38;
	[tilespmem:$0x10200] =	vst v63  }
0x95: {  	_ =	swait.ge [sflag:s19], $0x8000  }
0x96: {  	[sflag:s19] =	ssyncset.done $0x0  }
0x97: {  	[sflag:s19] =	ssyncadd.s32 $0xFFFF8000  }
0x98: {  	[hbm4b:s12+s1] =	stream.linear.scatter [tilespmem:s17], [sflag:$0x4], $0x8000, $0x38;
	[tilespmem:$0x10200] =	vst v63  }
0x99: {  	p0 =	sne.s32 s13, $0x1;
	_ =	swait.ge [sflag:s20], $0x8000  }
.Ltmp0:
0x9a: {  	[sflag:s20] =	ssyncset.done $0x0;
	(pc) =	sbr.rel @p0 .LBB2_1-.Ltmp0, $4  }
0x9b: {  	[sflag:s20] =	ssyncadd.s32 $0xFFFF8000  }
0x9c: {  	_ =	swait.ge [sflag:s21], $0x8000  }
0x9d: {  	[sflag:s21] =	ssyncset.done $0x0  }
0x9e: {  	s13 =	sadd.s32 $0xFFFFFFFF, s13;
	[sflag:s21] =	ssyncadd.s32 $0xFFFF8000  }
0x9f: {  	_ =	sfence.sel $0x180000  }
0xa0: {  	[bflag:$0x0] =	sbarrier.arrive $0xFFFF  }
0xa1: {  	p0 =	sne.s32 s2, $0x0;
	_ =	strace $0x90000047  }
0xa2: {  	s0 =	sadd.s32 @!p0 $0x100000, s0;
	[bflag:$0x2] =	sbarrier.arrive $0xFFFF  }
0xa3: {  	[sflag:s0] =	ssyncadd.tile.s32 @!p0 $0x1;
	_ =	shalt  }
.Lfunc_end2:
_tile_overlayer_lowered:
.L_overlay_start_2:
0xa4: {  	(tag) =	ssettag $0x2  }
0xa5: {  	s0 =	rddreg [dreg:$0x0];
	s2 =	stileid.u32  }
0xa6: {  	s1 =	rddreg [dreg:$0x1];
	p0 =	sne.s32 s2, $0x0  }
0xa7: {  	s3 =	rddreg [dreg:$0x2];
	[bflag:$0x3] =	sbarrier.arrive $0xFFFF;
	s2 =	simm.s32 @!p0 $0x1C05  }
0xa8: {  	[timem:s3], [sflag:s2] =	dma.local @!p0 [hbm:s0], s1  }
0xa9: {  	s0 =	simm.s32 @!p0 $0x5  }
0xaa: {  	_ =	swait.ge @!p0 [sflag:s0], s1  }
0xab: {  	s1 =	ssub.s32 @!p0 $0x0, s1;
	[sflag:s0] =	ssyncset.done @!p0 $0x0  }
0xac: {  	[sflag:s0] =	ssyncadd.s32 @!p0 s1  }
0xad: {  	[bflag:$0x3] =	sbarrier.arrive $0xFFFF  }
0xae: {  	_ =	shalt  }

</sc_bundles>
